<compile_context>
chip_gen: v7x
topology: tpu7x:2x2x1
jax: 0.10.2.dev20260603
libtpu: 0.0.44.dev20260713+nightly
codegen_flags: <defaults>
</compile_context>

<pallas_src>
import functools

import jax
import jax.numpy as jnp
from jax import lax
from jax.experimental import pallas as pl
from jax.experimental.pallas import tpu as pltpu
from jax.experimental.pallas import tpu_sc as plsc

N = 10000
E = 320000
IN = 128
OUT = 128
R = 65

NC = 2
NS = 16
NW = NC * NS
SUB = 80
EPW = E // NW
STG = 2000
N_ST = EPW // STG
ROWS_N = 624
TAIL = N - NS * ROWS_N
ZR = 16


def _prep_body(coef_ref, basis_ref, g_ref, rel_ref,
               w_ref, flat_ref, dst_ref):
    w_ref[...] = jnp.dot(coef_ref[...], basis_ref[...],
                         preferred_element_type=jnp.float32)
    flat_ref[...] = rel_ref[...] * N + g_ref[0]
    dst_ref[...] = g_ref[1]


def _prep(coef, basis2, g, rel):
    return pl.pallas_call(
        _prep_body,
        out_shape=(
            jax.ShapeDtypeStruct((R, IN * OUT), jnp.float32),
            jax.ShapeDtypeStruct((E,), jnp.int32),
            jax.ShapeDtypeStruct((E,), jnp.int32),
        ),
    )(coef, basis2, g, rel)


def _h_body(x_ref, w_ref, h_ref):
    r = pl.program_id(0)
    h_ref[0] = jnp.dot(x_ref[...], w_ref[pl.ds(r, 1), :].reshape(IN, OUT),
                       preferred_element_type=jnp.float32)


def _h_all(x, w2):
    return pl.pallas_call(
        _h_body,
        grid=(R,),
        in_specs=[
            pl.BlockSpec((N, IN), lambda r: (0, 0)),
            pl.BlockSpec((R, IN * OUT), lambda r: (0, 0)),
        ],
        out_specs=pl.BlockSpec((1, N, OUT), lambda r: (r, 0, 0)),
        out_shape=jax.ShapeDtypeStruct((R, N, OUT), jnp.float32),
    )(x, w2)


def _sc_edge_body(h_hbm, flat_hbm, dst_hbm, part_hbm,
                  dst_v, flat_v, rows_a, rows_b, rows_c, rows_d,
                  acc, zblk, gsem_a, gsem_b, gsem_c, gsem_d,
                  ssem_a, ssem_b, ssem_c, ssem_d):
    cid = lax.axis_index("c")
    sid = lax.axis_index("s")
    wid = cid * NS + sid

    z = jnp.zeros((1, 16), jnp.float32)

    @pl.loop(0, ZR)
    def _(i):
        @pl.loop(0, OUT, step=16)
        def _(j):
            zblk[pl.ds(i, 1), pl.ds(j, 16)] = z

    @pl.loop(0, ROWS_N // ZR)
    def _(k):
        pltpu.sync_copy(zblk, acc.at[pl.ds(sid * ROWS_N + k * ZR, ZR)])

    @pl.when(sid == NS - 1)
    def _():
        pltpu.sync_copy(zblk.at[pl.ds(0, TAIL)],
                        acc.at[pl.ds(NS * ROWS_N, TAIL)])

    plsc.subcore_barrier()

    @pl.loop(0, N_ST)
    def _(st):
        base = wid * EPW + st * STG
        pltpu.sync_copy(flat_hbm.at[pl.ds(base, STG)], flat_v)
        pltpu.sync_copy(dst_hbm.at[pl.ds(base, STG)], dst_v)

        rows = (rows_a, rows_b, rows_c, rows_d)
        gsem = (gsem_a, gsem_b, gsem_c, gsem_d)
        ssem = (ssem_a, ssem_b, ssem_c, ssem_d)
        NSUB = STG // SUB

        def g_slice(j):
            return h_hbm.at[flat_v.at[pl.ds(j * SUB, SUB)]]

        def s_slice(j):
            return acc.at[dst_v.at[pl.ds(j * SUB, SUB)]]

        pltpu.async_copy(g_slice(0), rows[0], gsem[0])
        pltpu.async_copy(g_slice(1), rows[1], gsem[1])
        pltpu.async_copy(g_slice(2), rows[2], gsem[2])

        @pl.loop(0, (NSUB - 1) // 4)
        def _(k):
            for t in range(4):
                j = 4 * k + t
                nb = (t + 3) % 4
                pltpu.make_async_copy(g_slice(j), rows[t], gsem[t]).wait()
                pltpu.async_copy(rows[t], s_slice(j), ssem[t], add=True)
                if t == 0:
                    @pl.when(k > 0)
                    def _():
                        pltpu.make_async_copy(rows[nb], s_slice(j),
                                              ssem[nb]).wait()
                else:
                    pltpu.make_async_copy(rows[nb], s_slice(j),
                                          ssem[nb]).wait()

                @pl.when(j + 3 < NSUB)
                def _():
                    pltpu.async_copy(g_slice(j + 3), rows[nb], gsem[nb])

        jt = NSUB - 1
        pltpu.make_async_copy(g_slice(jt), rows[jt % 4], gsem[jt % 4]).wait()
        pltpu.async_copy(rows[jt % 4], s_slice(jt), ssem[jt % 4], add=True)
        pltpu.make_async_copy(rows[3], s_slice(jt), ssem[3]).wait()
        pltpu.make_async_copy(rows[0], s_slice(jt), ssem[0]).wait()

    plsc.subcore_barrier()

    off = sid * ROWS_N
    pltpu.sync_copy(acc.at[pl.ds(off, ROWS_N)],
                    part_hbm.at[cid, pl.ds(off, ROWS_N)])

    @pl.when(sid == NS - 1)
    def _():
        pltpu.sync_copy(acc.at[pl.ds(NS * ROWS_N, TAIL)],
                        part_hbm.at[cid, pl.ds(NS * ROWS_N, TAIL)])


def _sc_edges(h2, flat, dst):
    mesh = plsc.VectorSubcoreMesh(core_axis_name="c", subcore_axis_name="s")
    kern = pl.kernel(
        _sc_edge_body,
        out_type=jax.ShapeDtypeStruct((NC, N, OUT), jnp.float32),
        mesh=mesh,
        scratch_types=[
            pltpu.VMEM((STG,), jnp.int32),
            pltpu.VMEM((STG,), jnp.int32),
            pltpu.VMEM((SUB, OUT), jnp.float32),
            pltpu.VMEM((SUB, OUT), jnp.float32),
            pltpu.VMEM((SUB, OUT), jnp.float32),
            pltpu.VMEM((SUB, OUT), jnp.float32),
            pltpu.VMEM_SHARED((N, OUT), jnp.float32),
            pltpu.VMEM((ZR, OUT), jnp.float32),
            pltpu.SemaphoreType.DMA,
            pltpu.SemaphoreType.DMA,
            pltpu.SemaphoreType.DMA,
            pltpu.SemaphoreType.DMA,
            pltpu.SemaphoreType.DMA,
            pltpu.SemaphoreType.DMA,
            pltpu.SemaphoreType.DMA,
            pltpu.SemaphoreType.DMA,
        ],
    )
    return kern(h2, flat, dst)


def _fin_body(p_ref, b_ref, o_ref):
    o_ref[...] = jnp.maximum(p_ref[0] + p_ref[1] + b_ref[...], 0.0)


def _finalize(part, bias2):
    return pl.pallas_call(
        _fin_body,
        out_shape=jax.ShapeDtypeStruct((N, OUT), jnp.float32),
    )(part, bias2)


def kernel(g, node_feats, edge_feats, basis, coef, bias):
    basis2 = basis.reshape(R, IN * OUT)
    w2, flat, dst = _prep(coef, basis2, g, edge_feats)
    h = _h_all(node_feats, w2)
    h2 = h.reshape(R * N, OUT)
    part = _sc_edges(h2, flat, dst)
    bias2 = bias.reshape(1, OUT)
    return _finalize(part, bias2)

# --- scband reference (transcript-rebuilt; emitter-appended) ---
"""Pipeline reference for scband-rgcnlayer-41369124995615 (READ-ONLY COPY).

The authoritative reference and input builder live on the scoring server;
editing this copy changes nothing except your own understanding.
"""

import jax, jax.numpy as jnp
import numpy as np

N = 10000
E = 320000
IN = 128
OUT = 128
R = 65


def setup_inputs(seed: int = 0) -> dict:
    key = jax.random.key(seed)
    k1, k2, k3, k4, k5 = jax.random.split(key, 5)
    g = jax.random.randint(k1, (2, E), 0, N, dtype=jnp.int32)
    node_feats = jax.random.normal(k2, (N, IN), dtype=jnp.float32)
    edge_feats = jax.random.randint(k3, (E,), 0, R, dtype=jnp.int32)
    # basis regularizer with num_bases=None -> num_bases = num_rels
    basis = jax.random.normal(k4, (R, IN, OUT), dtype=jnp.float32) * 0.05
    coef = jax.random.normal(k5, (R, R), dtype=jnp.float32) * 0.1
    bias = jnp.zeros((OUT,), dtype=jnp.float32)
    return {"g": g, "node_feats": node_feats, "edge_feats": edge_feats,
            "basis": basis, "coef": coef, "bias": bias}


def reference(g, node_feats, edge_feats, basis, coef, bias):
    # DGL RelGraphConv, regularizer='basis', num_bases=num_rels, bias=True,
    # activation=relu, self_loop=False, dropout in eval mode (identity).
    src = g[0]
    dst = g[1]
    # basis decomposition: W_r = sum_b coef[r, b] * basis[b]
    weight = jnp.einsum('rb,bio->rio', coef, basis)  # [R, IN, OUT]
    # transform every node under every relation, then gather per-edge
    H = jnp.einsum('ni,rio->rno', node_feats, weight)  # [R, N, OUT]
    msg = H[edge_feats, src]  # [E, OUT] = W_{etype(e)} x_{src(e)}
    agg = jax.ops.segment_sum(msg, dst, num_segments=N)  # sum aggregation
    h = agg + bias
    return jax.nn.relu(h)

if __name__ == "__main__":
    import jax
    _d = setup_inputs()
    print(jax.jit(kernel)(*tuple(_d.values())))

</pallas_src>

<mosaic_0001>
#map = affine_map<(d0, d1) -> (0, 0)>
#map1 = affine_map<(d0, d1) -> (0)>
#map2 = affine_map<(d0, d1) -> (0, 0, 0)>
module attributes {stable_mosaic.version = 14 : i64} {
  func.func @_sc_edge_body(%arg0: i32, %arg1: i32, %arg2: memref<650000x128xf32, #tpu.memory_space<hbm>>, %arg3: memref<320000xi32, #tpu.memory_space<hbm>>, %arg4: memref<320000xi32, #tpu.memory_space<hbm>>, %arg5: memref<2x10000x128xf32, #tpu.memory_space<hbm>>, %arg6: memref<2000xi32, #tpu.memory_space<vmem>>, %arg7: memref<2000xi32, #tpu.memory_space<vmem>>, %arg8: memref<80x128xf32, #tpu.memory_space<vmem>>, %arg9: memref<80x128xf32, #tpu.memory_space<vmem>>, %arg10: memref<80x128xf32, #tpu.memory_space<vmem>>, %arg11: memref<80x128xf32, #tpu.memory_space<vmem>>, %arg12: memref<10000x128xf32, #tpu.memory_space<vmem_shared>>, %arg13: memref<16x128xf32, #tpu.memory_space<vmem>>, %arg14: memref<!tpu.dma_semaphore, #tpu.memory_space<semaphore_mem>>, %arg15: memref<!tpu.dma_semaphore, #tpu.memory_space<semaphore_mem>>, %arg16: memref<!tpu.dma_semaphore, #tpu.memory_space<semaphore_mem>>, %arg17: memref<!tpu.dma_semaphore, #tpu.memory_space<semaphore_mem>>, %arg18: memref<!tpu.dma_semaphore, #tpu.memory_space<semaphore_mem>>, %arg19: memref<!tpu.dma_semaphore, #tpu.memory_space<semaphore_mem>>, %arg20: memref<!tpu.dma_semaphore, #tpu.memory_space<semaphore_mem>>, %arg21: memref<!tpu.dma_semaphore, #tpu.memory_space<semaphore_mem>>) attributes {dimension_semantics = [#tpu.dimension_semantics<core_parallel>, #tpu.dimension_semantics<subcore_parallel>], iteration_bounds = array<i64: 2, 16>, scalar_prefetch = 0 : i64, scratch_operands = 16 : i64, tpu.core_type = #tpu.core_type<sc_vector_subcore>, window_params = [{transform_indices = #map}, {transform_indices = #map1}, {transform_indices = #map1}, {transform_indices = #map2}]} {
    %mul3A = arith.constant 16 : i32
    %mul3A_0 = arith.muli %arg0, %mul3A : i32
    %add3A = arith.addi %mul3A_0, %arg1 : i32
    %broadcast_in_dim3A = arith.constant 0.000000e+00 : f32
    %broadcast_in_dim3A_1 = vector.broadcast %broadcast_in_dim3A : f32 to vector<1x16xf32>
    %scan3A = arith.constant 0 : i32
    %scan3A_2 = arith.constant 16 : i32
    %scan3A_3 = arith.addi %scan3A, %scan3A_2 : i32
    %scan3A_4 = arith.constant 1 : i32
    scf.for %scan3A_26 = %scan3A to %scan3A_3 step %scan3A_4  : i32 {
      %mul3A_27 = arith.constant 1 : i32
      %mul3A_28 = arith.muli %scan3A_26, %mul3A_27 : i32
      %add3A_29 = arith.constant 0 : i32
      %add3A_30 = arith.addi %add3A_29, %mul3A_28 : i32
      %scan3A_31 = arith.constant 0 : i32
      %scan3A_32 = arith.constant 8 : i32
      %scan3A_33 = arith.addi %scan3A_31, %scan3A_32 : i32
      %scan3A_34 = arith.constant 1 : i32
      scf.for %scan3A_36 = %scan3A_31 to %scan3A_33 step %scan3A_34  : i32 {
        %mul3A_37 = arith.constant 16 : i32
        %mul3A_38 = arith.muli %scan3A_36, %mul3A_37 : i32
        %add3A_39 = arith.constant 0 : i32
        %add3A_40 = arith.addi %add3A_39, %mul3A_38 : i32
        %swap3A = arith.index_cast %add3A_30 : i32 to index
        %swap3A_41 = arith.index_cast %add3A_40 : i32 to index
        %swap3A_42 = tpu.vector_load %arg13[%swap3A, %swap3A_41] {strides = array<i32>} : memref<16x128xf32, #tpu.memory_space<vmem>>, vector<1x16xf32>,
        %swap3A_43 = vector.shape_cast %swap3A_42 : vector<1x16xf32> to vector<1x16xf32>
        %swap3A_44 = vector.shape_cast %broadcast_in_dim3A_1 : vector<1x16xf32> to vector<1x16xf32>
        tpu.vector_store %arg13[%swap3A, %swap3A_41], %swap3A_44 {strides = array<i32>} : memref<16x128xf32, #tpu.memory_space<vmem>>, vector<1x16xf32>,
      }
      %scan3A_35 = arith.constant 8 : i32
    }
    %scan3A_5 = arith.constant 16 : i32
    %scan3A_6 = arith.constant 0 : i32
    %scan3A_7 = arith.constant 39 : i32
    %scan3A_8 = arith.addi %scan3A_6, %scan3A_7 : i32
    %scan3A_9 = arith.constant 1 : i32
    scf.for %scan3A_26 = %scan3A_6 to %scan3A_8 step %scan3A_9  : i32 {
      %mul3A_27 = arith.constant 1 : i32
      %mul3A_28 = arith.muli %scan3A_26, %mul3A_27 : i32
      %add3A_29 = arith.constant 0 : i32
      %add3A_30 = arith.addi %add3A_29, %mul3A_28 : i32
      %mul3A_31 = arith.constant 624 : i32
      %mul3A_32 = arith.muli %arg1, %mul3A_31 : i32
      %mul3A_33 = arith.constant 16 : i32
      %mul3A_34 = arith.muli %add3A_30, %mul3A_33 : i32
      %add3A_35 = arith.addi %mul3A_32, %mul3A_34 : i32
      "tpu.region"() ({
        %run_scoped3A = tpu.sem_alloc : memref<!tpu.dma_semaphore, #tpu.memory_space<semaphore_mem>>
        %dma_start3A = arith.constant 0 : i32
        %dma_start3A_36 = tpu.memref_slice %arg12[%add3A_35, %dma_start3A] : memref<10000x128xf32, #tpu.memory_space<vmem_shared>> -> memref<16x128xf32, #tpu.memory_space<vmem_shared>>
        %dma_start3A_37 = arith.constant 0 : i32
        %dma_start3A_38 = tpu.memref_slice %arg12[%add3A_35, %dma_start3A_37] : memref<10000x128xf32, #tpu.memory_space<vmem_shared>> -> memref<16x128xf32, #tpu.memory_space<vmem_shared>>
        tpu.enqueue_dma source(%arg13 : memref<16x128xf32, #tpu.memory_space<vmem>>) target(%dma_start3A_38 : memref<16x128xf32, #tpu.memory_space<vmem_shared>>) target_semaphore(%run_scoped3A : memref<!tpu.dma_semaphore, #tpu.memory_space<semaphore_mem>>)
        %dma_wait3A = arith.constant 0 : i32
        %dma_wait3A_39 = tpu.memref_slice %arg12[%add3A_35, %dma_wait3A] : memref<10000x128xf32, #tpu.memory_space<vmem_shared>> -> memref<16x128xf32, #tpu.memory_space<vmem_shared>>
        %dma_wait3A_40 = arith.constant 0 : i32
        %dma_wait3A_41 = tpu.memref_slice %arg12[%add3A_35, %dma_wait3A_40] : memref<10000x128xf32, #tpu.memory_space<vmem_shared>> -> memref<16x128xf32, #tpu.memory_space<vmem_shared>>
        tpu.wait_dma2 semaphore(%run_scoped3A : memref<!tpu.dma_semaphore, #tpu.memory_space<semaphore_mem>>) src(%arg13 : memref<16x128xf32, #tpu.memory_space<vmem>>) dst(%dma_wait3A_41 : memref<16x128xf32, #tpu.memory_space<vmem_shared>>)
        tpu.yield
      }) : () -> ()
    }
    %scan3A_10 = arith.constant 39 : i32
    %eq3A = arith.constant 15 : i32
    %eq3A_11 = arith.cmpi eq, %arg1, %eq3A : i32
    %convert_element_type3A = arith.extui %eq3A_11 : i1 to i32
    %cond3A = arith.constant 0 : i32
    %cond3A_12 = arith.cmpi ne, %convert_element_type3A, %cond3A : i32
    scf.if %cond3A_12 {
      "tpu.region"() ({
        %run_scoped3A = tpu.sem_alloc : memref<!tpu.dma_semaphore, #tpu.memory_space<semaphore_mem>>
        %dma_start3A = arith.constant 0 : i32
        %dma_start3A_26 = arith.constant 0 : i32
        %dma_start3A_27 = tpu.memref_slice %arg13[%dma_start3A, %dma_start3A_26] : memref<16x128xf32, #tpu.memory_space<vmem>> -> memref<16x128xf32, #tpu.memory_space<vmem>>
        %dma_start3A_28 = arith.constant 9984 : i32
        %dma_start3A_29 = arith.constant 0 : i32
        %dma_start3A_30 = tpu.memref_slice %arg12[%dma_start3A_28, %dma_start3A_29] : memref<10000x128xf32, #tpu.memory_space<vmem_shared>> -> memref<16x128xf32, #tpu.memory_space<vmem_shared>>
        %dma_start3A_31 = arith.constant 9984 : i32
        %dma_start3A_32 = arith.constant 0 : i32
        %dma_start3A_33 = tpu.memref_slice %arg12[%dma_start3A_31, %dma_start3A_32] : memref<10000x128xf32, #tpu.memory_space<vmem_shared>> -> memref<16x128xf32, #tpu.memory_space<vmem_shared>>
        %dma_start3A_34 = arith.constant 0 : i32
        %dma_start3A_35 = arith.constant 0 : i32
        %dma_start3A_36 = tpu.memref_slice %arg13[%dma_start3A_34, %dma_start3A_35] : memref<16x128xf32, #tpu.memory_space<vmem>> -> memref<16x128xf32, #tpu.memory_space<vmem>>
        tpu.enqueue_dma source(%dma_start3A_36 : memref<16x128xf32, #tpu.memory_space<vmem>>) target(%dma_start3A_33 : memref<16x128xf32, #tpu.memory_space<vmem_shared>>) target_semaphore(%run_scoped3A : memref<!tpu.dma_semaphore, #tpu.memory_space<semaphore_mem>>)
        %dma_wait3A = arith.constant 0 : i32
        %dma_wait3A_37 = arith.constant 0 : i32
        %dma_wait3A_38 = tpu.memref_slice %arg13[%dma_wait3A, %dma_wait3A_37] : memref<16x128xf32, #tpu.memory_space<vmem>> -> memref<16x128xf32, #tpu.memory_space<vmem>>
        %dma_wait3A_39 = arith.constant 9984 : i32
        %dma_wait3A_40 = arith.constant 0 : i32
        %dma_wait3A_41 = tpu.memref_slice %arg12[%dma_wait3A_39, %dma_wait3A_40] : memref<10000x128xf32, #tpu.memory_space<vmem_shared>> -> memref<16x128xf32, #tpu.memory_space<vmem_shared>>
        %dma_wait3A_42 = arith.constant 9984 : i32
        %dma_wait3A_43 = arith.constant 0 : i32
        %dma_wait3A_44 = tpu.memref_slice %arg12[%dma_wait3A_42, %dma_wait3A_43] : memref<10000x128xf32, #tpu.memory_space<vmem_shared>> -> memref<16x128xf32, #tpu.memory_space<vmem_shared>>
        %dma_wait3A_45 = arith.constant 0 : i32
        %dma_wait3A_46 = arith.constant 0 : i32
        %dma_wait3A_47 = tpu.memref_slice %arg13[%dma_wait3A_45, %dma_wait3A_46] : memref<16x128xf32, #tpu.memory_space<vmem>> -> memref<16x128xf32, #tpu.memory_space<vmem>>
        tpu.wait_dma2 semaphore(%run_scoped3A : memref<!tpu.dma_semaphore, #tpu.memory_space<semaphore_mem>>) src(%dma_wait3A_47 : memref<16x128xf32, #tpu.memory_space<vmem>>) dst(%dma_wait3A_44 : memref<16x128xf32, #tpu.memory_space<vmem_shared>>)
        tpu.yield
      }) : () -> ()
    } else {
    }
    %barrier3A = arith.constant 0 : index
    tpu.barrier barrier_id(%barrier3A)
    %scan3A_13 = arith.constant 0 : i32
    %scan3A_14 = arith.constant 5 : i32
    %scan3A_15 = arith.addi %scan3A_13, %scan3A_14 : i32
    %scan3A_16 = arith.constant 1 : i32
    scf.for %scan3A_26 = %scan3A_13 to %scan3A_15 step %scan3A_16  : i32 {
      %mul3A_27 = arith.constant 1 : i32
      %mul3A_28 = arith.muli %scan3A_26, %mul3A_27 : i32
      %add3A_29 = arith.constant 0 : i32
      %add3A_30 = arith.addi %add3A_29, %mul3A_28 : i32
      %mul3A_31 = arith.constant 10000 : i32
      %mul3A_32 = arith.muli %add3A, %mul3A_31 : i32
      %mul3A_33 = arith.constant 2000 : i32
      %mul3A_34 = arith.muli %add3A_30, %mul3A_33 : i32
      %add3A_35 = arith.addi %mul3A_32, %mul3A_34 : i32
      "tpu.region"() ({
        %run_scoped3A = tpu.sem_alloc : memref<!tpu.dma_semaphore, #tpu.memory_space<semaphore_mem>>
        %dma_start3A_74 = tpu.memref_slice %arg3[%add3A_35] : memref<320000xi32, #tpu.memory_space<hbm>> -> memref<2000xi32, #tpu.memory_space<hbm>>
        %dma_start3A_75 = tpu.memref_slice %arg3[%add3A_35] : memref<320000xi32, #tpu.memory_space<hbm>> -> memref<2000xi32, #tpu.memory_space<hbm>>
        tpu.enqueue_dma source(%dma_start3A_75 : memref<2000xi32, #tpu.memory_space<hbm>>) target(%arg7 : memref<2000xi32, #tpu.memory_space<vmem>>) target_semaphore(%run_scoped3A : memref<!tpu.dma_semaphore, #tpu.memory_space<semaphore_mem>>)
        %dma_wait3A_76 = tpu.memref_slice %arg3[%add3A_35] : memref<320000xi32, #tpu.memory_space<hbm>> -> memref<2000xi32, #tpu.memory_space<hbm>>
        %dma_wait3A_77 = tpu.memref_slice %arg3[%add3A_35] : memref<320000xi32, #tpu.memory_space<hbm>> -> memref<2000xi32, #tpu.memory_space<hbm>>
        tpu.wait_dma2 semaphore(%run_scoped3A : memref<!tpu.dma_semaphore, #tpu.memory_space<semaphore_mem>>) src(%dma_wait3A_77 : memref<2000xi32, #tpu.memory_space<hbm>>) dst(%arg7 : memref<2000xi32, #tpu.memory_space<vmem>>)
        tpu.yield
      }) : () -> ()
      "tpu.region"() ({
        %run_scoped3A = tpu.sem_alloc : memref<!tpu.dma_semaphore, #tpu.memory_space<semaphore_mem>>
        %dma_start3A_74 = tpu.memref_slice %arg4[%add3A_35] : memref<320000xi32, #tpu.memory_space<hbm>> -> memref<2000xi32, #tpu.memory_space<hbm>>
        %dma_start3A_75 = tpu.memref_slice %arg4[%add3A_35] : memref<320000xi32, #tpu.memory_space<hbm>> -> memref<2000xi32, #tpu.memory_space<hbm>>
        tpu.enqueue_dma source(%dma_start3A_75 : memref<2000xi32, #tpu.memory_space<hbm>>) target(%arg6 : memref<2000xi32, #tpu.memory_space<vmem>>) target_semaphore(%run_scoped3A : memref<!tpu.dma_semaphore, #tpu.memory_space<semaphore_mem>>)
        %dma_wait3A_76 = tpu.memref_slice %arg4[%add3A_35] : memref<320000xi32, #tpu.memory_space<hbm>> -> memref<2000xi32, #tpu.memory_space<hbm>>
        %dma_wait3A_77 = tpu.memref_slice %arg4[%add3A_35] : memref<320000xi32, #tpu.memory_space<hbm>> -> memref<2000xi32, #tpu.memory_space<hbm>>
        tpu.wait_dma2 semaphore(%run_scoped3A : memref<!tpu.dma_semaphore, #tpu.memory_space<semaphore_mem>>) src(%dma_wait3A_77 : memref<2000xi32, #tpu.memory_space<hbm>>) dst(%arg6 : memref<2000xi32, #tpu.memory_space<vmem>>)
        tpu.yield
      }) : () -> ()
      %dma_start3A = arith.constant 0 : i32
      %dma_start3A_36 = tpu.memref_slice %arg7[%dma_start3A] : memref<2000xi32, #tpu.memory_space<vmem>> -> memref<80xi32, #tpu.memory_space<vmem>>
      %dma_start3A_37 = arith.constant 0 : i32
      %dma_start3A_38 = arith.constant 0 : i32
      %dma_start3A_39 = tpu.memref_slice %arg2[%dma_start3A_37, %dma_start3A_38] : memref<650000x128xf32, #tpu.memory_space<hbm>> -> memref<650000x128xf32, #tpu.memory_space<hbm>>
      tpu.enqueue_indirect_dma source(%dma_start3A_39 : memref<650000x128xf32, #tpu.memory_space<hbm>>) target(%arg8 : memref<80x128xf32, #tpu.memory_space<vmem>>) offsets(%dma_start3A_36 : memref<80xi32, #tpu.memory_space<vmem>>) semaphore(%arg14 : memref<!tpu.dma_semaphore, #tpu.memory_space<semaphore_mem>>)
      %dma_start3A_40 = arith.constant 80 : i32
      %dma_start3A_41 = tpu.memref_slice %arg7[%dma_start3A_40] : memref<2000xi32, #tpu.memory_space<vmem>> -> memref<80xi32, #tpu.memory_space<vmem>>
      %dma_start3A_42 = arith.constant 0 : i32
      %dma_start3A_43 = arith.constant 0 : i32
      %dma_start3A_44 = tpu.memref_slice %arg2[%dma_start3A_42, %dma_start3A_43] : memref<650000x128xf32, #tpu.memory_space<hbm>> -> memref<650000x128xf32, #tpu.memory_space<hbm>>
      tpu.enqueue_indirect_dma source(%dma_start3A_44 : memref<650000x128xf32, #tpu.memory_space<hbm>>) target(%arg9 : memref<80x128xf32, #tpu.memory_space<vmem>>) offsets(%dma_start3A_41 : memref<80xi32, #tpu.memory_space<vmem>>) semaphore(%arg15 : memref<!tpu.dma_semaphore, #tpu.memory_space<semaphore_mem>>)
      %dma_start3A_45 = arith.constant 160 : i32
      %dma_start3A_46 = tpu.memref_slice %arg7[%dma_start3A_45] : memref<2000xi32, #tpu.memory_space<vmem>> -> memref<80xi32, #tpu.memory_space<vmem>>
      %dma_start3A_47 = arith.constant 0 : i32
      %dma_start3A_48 = arith.constant 0 : i32
      %dma_start3A_49 = tpu.memref_slice %arg2[%dma_start3A_47, %dma_start3A_48] : memref<650000x128xf32, #tpu.memory_space<hbm>> -> memref<650000x128xf32, #tpu.memory_space<hbm>>
      tpu.enqueue_indirect_dma source(%dma_start3A_49 : memref<650000x128xf32, #tpu.memory_space<hbm>>) target(%arg10 : memref<80x128xf32, #tpu.memory_space<vmem>>) offsets(%dma_start3A_46 : memref<80xi32, #tpu.memory_space<vmem>>) semaphore(%arg16 : memref<!tpu.dma_semaphore, #tpu.memory_space<semaphore_mem>>)
      %scan3A_50 = arith.constant 0 : i32
      %scan3A_51 = arith.constant 6 : i32
      %scan3A_52 = arith.addi %scan3A_50, %scan3A_51 : i32
      %scan3A_53 = arith.constant 1 : i32
      scf.for %scan3A_74 = %scan3A_50 to %scan3A_52 step %scan3A_53  : i32 {
        %mul3A_75 = arith.constant 1 : i32
        %mul3A_76 = arith.muli %scan3A_74, %mul3A_75 : i32
        %add3A_77 = arith.constant 0 : i32
        %add3A_78 = arith.addi %add3A_77, %mul3A_76 : i32
        %mul3A_79 = arith.constant 4 : i32
        %mul3A_80 = arith.muli %mul3A_79, %add3A_78 : i32
        %add3A_81 = arith.constant 0 : i32
        %add3A_82 = arith.addi %mul3A_80, %add3A_81 : i32
        %mul3A_83 = arith.constant 80 : i32
        %mul3A_84 = arith.muli %add3A_82, %mul3A_83 : i32
        %dma_wait3A_85 = tpu.memref_slice %arg7[%mul3A_84] : memref<2000xi32, #tpu.memory_space<vmem>> -> memref<80xi32, #tpu.memory_space<vmem>>
        %dma_wait3A_86 = arith.constant 0 : i32
        %dma_wait3A_87 = arith.constant 0 : i32
        %dma_wait3A_88 = tpu.memref_slice %arg2[%dma_wait3A_86, %dma_wait3A_87] : memref<650000x128xf32, #tpu.memory_space<hbm>> -> memref<650000x128xf32, #tpu.memory_space<hbm>>
        tpu.wait_indirect_dma semaphore(%arg14 : memref<!tpu.dma_semaphore, #tpu.memory_space<semaphore_mem>>) src(%dma_wait3A_88 : memref<650000x128xf32, #tpu.memory_space<hbm>>) dst(%arg8 : memref<80x128xf32, #tpu.memory_space<vmem>>)
        %mul3A_89 = arith.constant 80 : i32
        %mul3A_90 = arith.muli %add3A_82, %mul3A_89 : i32
        %dma_start3A_91 = tpu.memref_slice %arg6[%mul3A_90] : memref<2000xi32, #tpu.memory_space<vmem>> -> memref<80xi32, #tpu.memory_space<vmem>>
        %dma_start3A_92 = arith.constant 0 : i32
        %dma_start3A_93 = arith.constant 0 : i32
        %dma_start3A_94 = tpu.memref_slice %arg12[%dma_start3A_92, %dma_start3A_93] : memref<10000x128xf32, #tpu.memory_space<vmem_shared>> -> memref<10000x128xf32, #tpu.memory_space<vmem_shared>>
        tpu.enqueue_indirect_dma source(%arg8 : memref<80x128xf32, #tpu.memory_space<vmem>>) target(%dma_start3A_94 : memref<10000x128xf32, #tpu.memory_space<vmem_shared>>) offsets(%dma_start3A_91 : memref<80xi32, #tpu.memory_space<vmem>>) semaphore(%arg18 : memref<!tpu.dma_semaphore, #tpu.memory_space<semaphore_mem>>) {add = true}
        %gt3A = arith.constant 0 : i32
        %gt3A_95 = arith.cmpi sgt, %add3A_78, %gt3A : i32
        %convert_element_type3A_96 = arith.extui %gt3A_95 : i1 to i32
        %cond3A_97 = arith.constant 0 : i32
        %cond3A_98 = arith.cmpi ne, %convert_element_type3A_96, %cond3A_97 : i32
        scf.if %cond3A_98 {
          %mul3A_192 = arith.constant 80 : i32
          %mul3A_193 = arith.muli %add3A_82, %mul3A_192 : i32
          %dma_wait3A_194 = tpu.memref_slice %arg6[%mul3A_193] : memref<2000xi32, #tpu.memory_space<vmem>> -> memref<80xi32, #tpu.memory_space<vmem>>
          %dma_wait3A_195 = arith.constant 0 : i32
          %dma_wait3A_196 = arith.constant 0 : i32
          %dma_wait3A_197 = tpu.memref_slice %arg12[%dma_wait3A_195, %dma_wait3A_196] : memref<10000x128xf32, #tpu.memory_space<vmem_shared>> -> memref<10000x128xf32, #tpu.memory_space<vmem_shared>>
          tpu.wait_indirect_dma semaphore(%arg21 : memref<!tpu.dma_semaphore, #tpu.memory_space<semaphore_mem>>) src(%arg11 : memref<80x128xf32, #tpu.memory_space<vmem>>) dst(%dma_wait3A_197 : memref<10000x128xf32, #tpu.memory_space<vmem_shared>>)
        } else {
        }
        %add3A_99 = arith.constant 3 : i32
        %add3A_100 = arith.addi %add3A_82, %add3A_99 : i32
        %lt3A = arith.constant 25 : i32
        %lt3A_101 = arith.cmpi slt, %add3A_100, %lt3A : i32
        %convert_element_type3A_102 = arith.extui %lt3A_101 : i1 to i32
        %cond3A_103 = arith.constant 0 : i32
        %cond3A_104 = arith.cmpi ne, %convert_element_type3A_102, %cond3A_103 : i32
        scf.if %cond3A_104 {
          %add3A_192 = arith.constant 3 : i32
          %add3A_193 = arith.addi %add3A_82, %add3A_192 : i32
          %mul3A_194 = arith.constant 80 : i32
          %mul3A_195 = arith.muli %add3A_193, %mul3A_194 : i32
          %dma_start3A_196 = tpu.memref_slice %arg7[%mul3A_195] : memref<2000xi32, #tpu.memory_space<vmem>> -> memref<80xi32, #tpu.memory_space<vmem>>
          %dma_start3A_197 = arith.constant 0 : i32
          %dma_start3A_198 = arith.constant 0 : i32
          %dma_start3A_199 = tpu.memref_slice %arg2[%dma_start3A_197, %dma_start3A_198] : memref<650000x128xf32, #tpu.memory_space<hbm>> -> memref<650000x128xf32, #tpu.memory_space<hbm>>
          tpu.enqueue_indirect_dma source(%dma_start3A_199 : memref<650000x128xf32, #tpu.memory_space<hbm>>) target(%arg11 : memref<80x128xf32, #tpu.memory_space<vmem>>) offsets(%dma_start3A_196 : memref<80xi32, #tpu.memory_space<vmem>>) semaphore(%arg17 : memref<!tpu.dma_semaphore, #tpu.memory_space<semaphore_mem>>)
        } else {
        }
        %mul3A_105 = arith.constant 4 : i32
        %mul3A_106 = arith.muli %mul3A_105, %add3A_78 : i32
        %add3A_107 = arith.constant 1 : i32
        %add3A_108 = arith.addi %mul3A_106, %add3A_107 : i32
        %mul3A_109 = arith.constant 80 : i32
        %mul3A_110 = arith.muli %add3A_108, %mul3A_109 : i32
        %dma_wait3A_111 = tpu.memref_slice %arg7[%mul3A_110] : memref<2000xi32, #tpu.memory_space<vmem>> -> memref<80xi32, #tpu.memory_space<vmem>>
        %dma_wait3A_112 = arith.constant 0 : i32
        %dma_wait3A_113 = arith.constant 0 : i32
        %dma_wait3A_114 = tpu.memref_slice %arg2[%dma_wait3A_112, %dma_wait3A_113] : memref<650000x128xf32, #tpu.memory_space<hbm>> -> memref<650000x128xf32, #tpu.memory_space<hbm>>
        tpu.wait_indirect_dma semaphore(%arg15 : memref<!tpu.dma_semaphore, #tpu.memory_space<semaphore_mem>>) src(%dma_wait3A_114 : memref<650000x128xf32, #tpu.memory_space<hbm>>) dst(%arg9 : memref<80x128xf32, #tpu.memory_space<vmem>>)
        %mul3A_115 = arith.constant 80 : i32
        %mul3A_116 = arith.muli %add3A_108, %mul3A_115 : i32
        %dma_start3A_117 = tpu.memref_slice %arg6[%mul3A_116] : memref<2000xi32, #tpu.memory_space<vmem>> -> memref<80xi32, #tpu.memory_space<vmem>>
        %dma_start3A_118 = arith.constant 0 : i32
        %dma_start3A_119 = arith.constant 0 : i32
        %dma_start3A_120 = tpu.memref_slice %arg12[%dma_start3A_118, %dma_start3A_119] : memref<10000x128xf32, #tpu.memory_space<vmem_shared>> -> memref<10000x128xf32, #tpu.memory_space<vmem_shared>>
        tpu.enqueue_indirect_dma source(%arg9 : memref<80x128xf32, #tpu.memory_space<vmem>>) target(%dma_start3A_120 : memref<10000x128xf32, #tpu.memory_space<vmem_shared>>) offsets(%dma_start3A_117 : memref<80xi32, #tpu.memory_space<vmem>>) semaphore(%arg19 : memref<!tpu.dma_semaphore, #tpu.memory_space<semaphore_mem>>) {add = true}
        %mul3A_121 = arith.constant 80 : i32
        %mul3A_122 = arith.muli %add3A_108, %mul3A_121 : i32
        %dma_wait3A_123 = tpu.memref_slice %arg6[%mul3A_122] : memref<2000xi32, #tpu.memory_space<vmem>> -> memref<80xi32, #tpu.memory_space<vmem>>
        %dma_wait3A_124 = arith.constant 0 : i32
        %dma_wait3A_125 = arith.constant 0 : i32
        %dma_wait3A_126 = tpu.memref_slice %arg12[%dma_wait3A_124, %dma_wait3A_125] : memref<10000x128xf32, #tpu.memory_space<vmem_shared>> -> memref<10000x128xf32, #tpu.memory_space<vmem_shared>>
        tpu.wait_indirect_dma semaphore(%arg18 : memref<!tpu.dma_semaphore, #tpu.memory_space<semaphore_mem>>) src(%arg8 : memref<80x128xf32, #tpu.memory_space<vmem>>) dst(%dma_wait3A_126 : memref<10000x128xf32, #tpu.memory_space<vmem_shared>>)
        %add3A_127 = arith.constant 3 : i32
        %add3A_128 = arith.addi %add3A_108, %add3A_127 : i32
        %lt3A_129 = arith.constant 25 : i32
        %lt3A_130 = arith.cmpi slt, %add3A_128, %lt3A_129 : i32
        %convert_element_type3A_131 = arith.extui %lt3A_130 : i1 to i32
        %cond3A_132 = arith.constant 0 : i32
        %cond3A_133 = arith.cmpi ne, %convert_element_type3A_131, %cond3A_132 : i32
        scf.if %cond3A_133 {
          %add3A_192 = arith.constant 3 : i32
          %add3A_193 = arith.addi %add3A_108, %add3A_192 : i32
          %mul3A_194 = arith.constant 80 : i32
          %mul3A_195 = arith.muli %add3A_193, %mul3A_194 : i32
          %dma_start3A_196 = tpu.memref_slice %arg7[%mul3A_195] : memref<2000xi32, #tpu.memory_space<vmem>> -> memref<80xi32, #tpu.memory_space<vmem>>
          %dma_start3A_197 = arith.constant 0 : i32
          %dma_start3A_198 = arith.constant 0 : i32
          %dma_start3A_199 = tpu.memref_slice %arg2[%dma_start3A_197, %dma_start3A_198] : memref<650000x128xf32, #tpu.memory_space<hbm>> -> memref<650000x128xf32, #tpu.memory_space<hbm>>
          tpu.enqueue_indirect_dma source(%dma_start3A_199 : memref<650000x128xf32, #tpu.memory_space<hbm>>) target(%arg8 : memref<80x128xf32, #tpu.memory_space<vmem>>) offsets(%dma_start3A_196 : memref<80xi32, #tpu.memory_space<vmem>>) semaphore(%arg14 : memref<!tpu.dma_semaphore, #tpu.memory_space<semaphore_mem>>)
        } else {
        }
        %mul3A_134 = arith.constant 4 : i32
        %mul3A_135 = arith.muli %mul3A_134, %add3A_78 : i32
        %add3A_136 = arith.constant 2 : i32
        %add3A_137 = arith.addi %mul3A_135, %add3A_136 : i32
        %mul3A_138 = arith.constant 80 : i32
        %mul3A_139 = arith.muli %add3A_137, %mul3A_138 : i32
        %dma_wait3A_140 = tpu.memref_slice %arg7[%mul3A_139] : memref<2000xi32, #tpu.memory_space<vmem>> -> memref<80xi32, #tpu.memory_space<vmem>>
        %dma_wait3A_141 = arith.constant 0 : i32
        %dma_wait3A_142 = arith.constant 0 : i32
        %dma_wait3A_143 = tpu.memref_slice %arg2[%dma_wait3A_141, %dma_wait3A_142] : memref<650000x128xf32, #tpu.memory_space<hbm>> -> memref<650000x128xf32, #tpu.memory_space<hbm>>
        tpu.wait_indirect_dma semaphore(%arg16 : memref<!tpu.dma_semaphore, #tpu.memory_space<semaphore_mem>>) src(%dma_wait3A_143 : memref<650000x128xf32, #tpu.memory_space<hbm>>) dst(%arg10 : memref<80x128xf32, #tpu.memory_space<vmem>>)
        %mul3A_144 = arith.constant 80 : i32
        %mul3A_145 = arith.muli %add3A_137, %mul3A_144 : i32
        %dma_start3A_146 = tpu.memref_slice %arg6[%mul3A_145] : memref<2000xi32, #tpu.memory_space<vmem>> -> memref<80xi32, #tpu.memory_space<vmem>>
        %dma_start3A_147 = arith.constant 0 : i32
        %dma_start3A_148 = arith.constant 0 : i32
        %dma_start3A_149 = tpu.memref_slice %arg12[%dma_start3A_147, %dma_start3A_148] : memref<10000x128xf32, #tpu.memory_space<vmem_shared>> -> memref<10000x128xf32, #tpu.memory_space<vmem_shared>>
        tpu.enqueue_indirect_dma source(%arg10 : memref<80x128xf32, #tpu.memory_space<vmem>>) target(%dma_start3A_149 : memref<10000x128xf32, #tpu.memory_space<vmem_shared>>) offsets(%dma_start3A_146 : memref<80xi32, #tpu.memory_space<vmem>>) semaphore(%arg20 : memref<!tpu.dma_semaphore, #tpu.memory_space<semaphore_mem>>) {add = true}
        %mul3A_150 = arith.constant 80 : i32
        %mul3A_151 = arith.muli %add3A_137, %mul3A_150 : i32
        %dma_wait3A_152 = tpu.memref_slice %arg6[%mul3A_151] : memref<2000xi32, #tpu.memory_space<vmem>> -> memref<80xi32, #tpu.memory_space<vmem>>
        %dma_wait3A_153 = arith.constant 0 : i32
        %dma_wait3A_154 = arith.constant 0 : i32
        %dma_wait3A_155 = tpu.memref_slice %arg12[%dma_wait3A_153, %dma_wait3A_154] : memref<10000x128xf32, #tpu.memory_space<vmem_shared>> -> memref<10000x128xf32, #tpu.memory_space<vmem_shared>>
        tpu.wait_indirect_dma semaphore(%arg19 : memref<!tpu.dma_semaphore, #tpu.memory_space<semaphore_mem>>) src(%arg9 : memref<80x128xf32, #tpu.memory_space<vmem>>) dst(%dma_wait3A_155 : memref<10000x128xf32, #tpu.memory_space<vmem_shared>>)
        %add3A_156 = arith.constant 3 : i32
        %add3A_157 = arith.addi %add3A_137, %add3A_156 : i32
        %lt3A_158 = arith.constant 25 : i32
        %lt3A_159 = arith.cmpi slt, %add3A_157, %lt3A_158 : i32
        %convert_element_type3A_160 = arith.extui %lt3A_159 : i1 to i32
        %cond3A_161 = arith.constant 0 : i32
        %cond3A_162 = arith.cmpi ne, %convert_element_type3A_160, %cond3A_161 : i32
        scf.if %cond3A_162 {
          %add3A_192 = arith.constant 3 : i32
          %add3A_193 = arith.addi %add3A_137, %add3A_192 : i32
          %mul3A_194 = arith.constant 80 : i32
          %mul3A_195 = arith.muli %add3A_193, %mul3A_194 : i32
          %dma_start3A_196 = tpu.memref_slice %arg7[%mul3A_195] : memref<2000xi32, #tpu.memory_space<vmem>> -> memref<80xi32, #tpu.memory_space<vmem>>
          %dma_start3A_197 = arith.constant 0 : i32
          %dma_start3A_198 = arith.constant 0 : i32
          %dma_start3A_199 = tpu.memref_slice %arg2[%dma_start3A_197, %dma_start3A_198] : memref<650000x128xf32, #tpu.memory_space<hbm>> -> memref<650000x128xf32, #tpu.memory_space<hbm>>
          tpu.enqueue_indirect_dma source(%dma_start3A_199 : memref<650000x128xf32, #tpu.memory_space<hbm>>) target(%arg9 : memref<80x128xf32, #tpu.memory_space<vmem>>) offsets(%dma_start3A_196 : memref<80xi32, #tpu.memory_space<vmem>>) semaphore(%arg15 : memref<!tpu.dma_semaphore, #tpu.memory_space<semaphore_mem>>)
        } else {
        }
        %mul3A_163 = arith.constant 4 : i32
        %mul3A_164 = arith.muli %mul3A_163, %add3A_78 : i32
        %add3A_165 = arith.constant 3 : i32
        %add3A_166 = arith.addi %mul3A_164, %add3A_165 : i32
        %mul3A_167 = arith.constant 80 : i32
        %mul3A_168 = arith.muli %add3A_166, %mul3A_167 : i32
        %dma_wait3A_169 = tpu.memref_slice %arg7[%mul3A_168] : memref<2000xi32, #tpu.memory_space<vmem>> -> memref<80xi32, #tpu.memory_space<vmem>>
        %dma_wait3A_170 = arith.constant 0 : i32
        %dma_wait3A_171 = arith.constant 0 : i32
        %dma_wait3A_172 = tpu.memref_slice %arg2[%dma_wait3A_170, %dma_wait3A_171] : memref<650000x128xf32, #tpu.memory_space<hbm>> -> memref<650000x128xf32, #tpu.memory_space<hbm>>
        tpu.wait_indirect_dma semaphore(%arg17 : memref<!tpu.dma_semaphore, #tpu.memory_space<semaphore_mem>>) src(%dma_wait3A_172 : memref<650000x128xf32, #tpu.memory_space<hbm>>) dst(%arg11 : memref<80x128xf32, #tpu.memory_space<vmem>>)
        %mul3A_173 = arith.constant 80 : i32
        %mul3A_174 = arith.muli %add3A_166, %mul3A_173 : i32
        %dma_start3A_175 = tpu.memref_slice %arg6[%mul3A_174] : memref<2000xi32, #tpu.memory_space<vmem>> -> memref<80xi32, #tpu.memory_space<vmem>>
        %dma_start3A_176 = arith.constant 0 : i32
        %dma_start3A_177 = arith.constant 0 : i32
        %dma_start3A_178 = tpu.memref_slice %arg12[%dma_start3A_176, %dma_start3A_177] : memref<10000x128xf32, #tpu.memory_space<vmem_shared>> -> memref<10000x128xf32, #tpu.memory_space<vmem_shared>>
        tpu.enqueue_indirect_dma source(%arg11 : memref<80x128xf32, #tpu.memory_space<vmem>>) target(%dma_start3A_178 : memref<10000x128xf32, #tpu.memory_space<vmem_shared>>) offsets(%dma_start3A_175 : memref<80xi32, #tpu.memory_space<vmem>>) semaphore(%arg21 : memref<!tpu.dma_semaphore, #tpu.memory_space<semaphore_mem>>) {add = true}
        %mul3A_179 = arith.constant 80 : i32
        %mul3A_180 = arith.muli %add3A_166, %mul3A_179 : i32
        %dma_wait3A_181 = tpu.memref_slice %arg6[%mul3A_180] : memref<2000xi32, #tpu.memory_space<vmem>> -> memref<80xi32, #tpu.memory_space<vmem>>
        %dma_wait3A_182 = arith.constant 0 : i32
        %dma_wait3A_183 = arith.constant 0 : i32
        %dma_wait3A_184 = tpu.memref_slice %arg12[%dma_wait3A_182, %dma_wait3A_183] : memref<10000x128xf32, #tpu.memory_space<vmem_shared>> -> memref<10000x128xf32, #tpu.memory_space<vmem_shared>>
        tpu.wait_indirect_dma semaphore(%arg20 : memref<!tpu.dma_semaphore, #tpu.memory_space<semaphore_mem>>) src(%arg10 : memref<80x128xf32, #tpu.memory_space<vmem>>) dst(%dma_wait3A_184 : memref<10000x128xf32, #tpu.memory_space<vmem_shared>>)
        %add3A_185 = arith.constant 3 : i32
        %add3A_186 = arith.addi %add3A_166, %add3A_185 : i32
        %lt3A_187 = arith.constant 25 : i32
        %lt3A_188 = arith.cmpi slt, %add3A_186, %lt3A_187 : i32
        %convert_element_type3A_189 = arith.extui %lt3A_188 : i1 to i32
        %cond3A_190 = arith.constant 0 : i32
        %cond3A_191 = arith.cmpi ne, %convert_element_type3A_189, %cond3A_190 : i32
        scf.if %cond3A_191 {
          %add3A_192 = arith.constant 3 : i32
          %add3A_193 = arith.addi %add3A_166, %add3A_192 : i32
          %mul3A_194 = arith.constant 80 : i32
          %mul3A_195 = arith.muli %add3A_193, %mul3A_194 : i32
          %dma_start3A_196 = tpu.memref_slice %arg7[%mul3A_195] : memref<2000xi32, #tpu.memory_space<vmem>> -> memref<80xi32, #tpu.memory_space<vmem>>
          %dma_start3A_197 = arith.constant 0 : i32
          %dma_start3A_198 = arith.constant 0 : i32
          %dma_start3A_199 = tpu.memref_slice %arg2[%dma_start3A_197, %dma_start3A_198] : memref<650000x128xf32, #tpu.memory_space<hbm>> -> memref<650000x128xf32, #tpu.memory_space<hbm>>
          tpu.enqueue_indirect_dma source(%dma_start3A_199 : memref<650000x128xf32, #tpu.memory_space<hbm>>) target(%arg10 : memref<80x128xf32, #tpu.memory_space<vmem>>) offsets(%dma_start3A_196 : memref<80xi32, #tpu.memory_space<vmem>>) semaphore(%arg16 : memref<!tpu.dma_semaphore, #tpu.memory_space<semaphore_mem>>)
        } else {
        }
      }
      %scan3A_54 = arith.constant 6 : i32
      %dma_wait3A = arith.constant 1920 : i32
      %dma_wait3A_55 = tpu.memref_slice %arg7[%dma_wait3A] : memref<2000xi32, #tpu.memory_space<vmem>> -> memref<80xi32, #tpu.memory_space<vmem>>
      %dma_wait3A_56 = arith.constant 0 : i32
      %dma_wait3A_57 = arith.constant 0 : i32
      %dma_wait3A_58 = tpu.memref_slice %arg2[%dma_wait3A_56, %dma_wait3A_57] : memref<650000x128xf32, #tpu.memory_space<hbm>> -> memref<650000x128xf32, #tpu.memory_space<hbm>>
      tpu.wait_indirect_dma semaphore(%arg14 : memref<!tpu.dma_semaphore, #tpu.memory_space<semaphore_mem>>) src(%dma_wait3A_58 : memref<650000x128xf32, #tpu.memory_space<hbm>>) dst(%arg8 : memref<80x128xf32, #tpu.memory_space<vmem>>)
      %dma_start3A_59 = arith.constant 1920 : i32
      %dma_start3A_60 = tpu.memref_slice %arg6[%dma_start3A_59] : memref<2000xi32, #tpu.memory_space<vmem>> -> memref<80xi32, #tpu.memory_space<vmem>>
      %dma_start3A_61 = arith.constant 0 : i32
      %dma_start3A_62 = arith.constant 0 : i32
      %dma_start3A_63 = tpu.memref_slice %arg12[%dma_start3A_61, %dma_start3A_62] : memref<10000x128xf32, #tpu.memory_space<vmem_shared>> -> memref<10000x128xf32, #tpu.memory_space<vmem_shared>>
      tpu.enqueue_indirect_dma source(%arg8 : memref<80x128xf32, #tpu.memory_space<vmem>>) target(%dma_start3A_63 : memref<10000x128xf32, #tpu.memory_space<vmem_shared>>) offsets(%dma_start3A_60 : memref<80xi32, #tpu.memory_space<vmem>>) semaphore(%arg18 : memref<!tpu.dma_semaphore, #tpu.memory_space<semaphore_mem>>) {add = true}
      %dma_wait3A_64 = arith.constant 1920 : i32
      %dma_wait3A_65 = tpu.memref_slice %arg6[%dma_wait3A_64] : memref<2000xi32, #tpu.memory_space<vmem>> -> memref<80xi32, #tpu.memory_space<vmem>>
      %dma_wait3A_66 = arith.constant 0 : i32
      %dma_wait3A_67 = arith.constant 0 : i32
      %dma_wait3A_68 = tpu.memref_slice %arg12[%dma_wait3A_66, %dma_wait3A_67] : memref<10000x128xf32, #tpu.memory_space<vmem_shared>> -> memref<10000x128xf32, #tpu.memory_space<vmem_shared>>
      tpu.wait_indirect_dma semaphore(%arg21 : memref<!tpu.dma_semaphore, #tpu.memory_space<semaphore_mem>>) src(%arg11 : memref<80x128xf32, #tpu.memory_space<vmem>>) dst(%dma_wait3A_68 : memref<10000x128xf32, #tpu.memory_space<vmem_shared>>)
      %dma_wait3A_69 = arith.constant 1920 : i32
      %dma_wait3A_70 = tpu.memref_slice %arg6[%dma_wait3A_69] : memref<2000xi32, #tpu.memory_space<vmem>> -> memref<80xi32, #tpu.memory_space<vmem>>
      %dma_wait3A_71 = arith.constant 0 : i32
      %dma_wait3A_72 = arith.constant 0 : i32
      %dma_wait3A_73 = tpu.memref_slice %arg12[%dma_wait3A_71, %dma_wait3A_72] : memref<10000x128xf32, #tpu.memory_space<vmem_shared>> -> memref<10000x128xf32, #tpu.memory_space<vmem_shared>>
      tpu.wait_indirect_dma semaphore(%arg18 : memref<!tpu.dma_semaphore, #tpu.memory_space<semaphore_mem>>) src(%arg8 : memref<80x128xf32, #tpu.memory_space<vmem>>) dst(%dma_wait3A_73 : memref<10000x128xf32, #tpu.memory_space<vmem_shared>>)
    }
    %scan3A_17 = arith.constant 5 : i32
    %barrier3A_18 = arith.constant 0 : index
    tpu.barrier barrier_id(%barrier3A_18)
    %mul3A_19 = arith.constant 624 : i32
    %mul3A_20 = arith.muli %arg1, %mul3A_19 : i32
    "tpu.region"() ({
      %run_scoped3A = tpu.sem_alloc : memref<!tpu.dma_semaphore, #tpu.memory_space<semaphore_mem>>
      %dma_start3A = arith.constant 0 : i32
      %dma_start3A_26 = tpu.memref_slice %arg5[%arg0, %mul3A_20, %dma_start3A] : memref<2x10000x128xf32, #tpu.memory_space<hbm>> -> memref<1x624x128xf32, #tpu.memory_space<hbm>>
      %dma_start3A_27 = tpu.memref_squeeze %dma_start3A_26 : memref<1x624x128xf32, #tpu.memory_space<hbm>> -> memref<624x128xf32, #tpu.memory_space<hbm>>
      %dma_start3A_28 = arith.constant 0 : i32
      %dma_start3A_29 = tpu.memref_slice %arg12[%mul3A_20, %dma_start3A_28] : memref<10000x128xf32, #tpu.memory_space<vmem_shared>> -> memref<624x128xf32, #tpu.memory_space<vmem_shared>>
      tpu.enqueue_dma source(%dma_start3A_29 : memref<624x128xf32, #tpu.memory_space<vmem_shared>>) target(%dma_start3A_27 : memref<624x128xf32, #tpu.memory_space<hbm>>) target_semaphore(%run_scoped3A : memref<!tpu.dma_semaphore, #tpu.memory_space<semaphore_mem>>)
      %dma_wait3A = arith.constant 0 : i32
      %dma_wait3A_30 = tpu.memref_slice %arg5[%arg0, %mul3A_20, %dma_wait3A] : memref<2x10000x128xf32, #tpu.memory_space<hbm>> -> memref<1x624x128xf32, #tpu.memory_space<hbm>>
      %dma_wait3A_31 = tpu.memref_squeeze %dma_wait3A_30 : memref<1x624x128xf32, #tpu.memory_space<hbm>> -> memref<624x128xf32, #tpu.memory_space<hbm>>
      %dma_wait3A_32 = arith.constant 0 : i32
      %dma_wait3A_33 = tpu.memref_slice %arg12[%mul3A_20, %dma_wait3A_32] : memref<10000x128xf32, #tpu.memory_space<vmem_shared>> -> memref<624x128xf32, #tpu.memory_space<vmem_shared>>
      tpu.wait_dma2 semaphore(%run_scoped3A : memref<!tpu.dma_semaphore, #tpu.memory_space<semaphore_mem>>) src(%dma_wait3A_33 : memref<624x128xf32, #tpu.memory_space<vmem_shared>>) dst(%dma_wait3A_31 : memref<624x128xf32, #tpu.memory_space<hbm>>)
      tpu.yield
    }) : () -> ()
    %eq3A_21 = arith.constant 15 : i32
    %eq3A_22 = arith.cmpi eq, %arg1, %eq3A_21 : i32
    %convert_element_type3A_23 = arith.extui %eq3A_22 : i1 to i32
    %cond3A_24 = arith.constant 0 : i32
    %cond3A_25 = arith.cmpi ne, %convert_element_type3A_23, %cond3A_24 : i32
    scf.if %cond3A_25 {
      "tpu.region"() ({
        %run_scoped3A = tpu.sem_alloc : memref<!tpu.dma_semaphore, #tpu.memory_space<semaphore_mem>>
        %dma_start3A = arith.constant 9984 : i32
        %dma_start3A_26 = arith.constant 0 : i32
        %dma_start3A_27 = tpu.memref_slice %arg5[%arg0, %dma_start3A, %dma_start3A_26] : memref<2x10000x128xf32, #tpu.memory_space<hbm>> -> memref<1x16x128xf32, #tpu.memory_space<hbm>>
        %dma_start3A_28 = tpu.memref_squeeze %dma_start3A_27 : memref<1x16x128xf32, #tpu.memory_space<hbm>> -> memref<16x128xf32, #tpu.memory_space<hbm>>
        %dma_start3A_29 = arith.constant 9984 : i32
        %dma_start3A_30 = arith.constant 0 : i32
        %dma_start3A_31 = tpu.memref_slice %arg12[%dma_start3A_29, %dma_start3A_30] : memref<10000x128xf32, #tpu.memory_space<vmem_shared>> -> memref<16x128xf32, #tpu.memory_space<vmem_shared>>
        tpu.enqueue_dma source(%dma_start3A_31 : memref<16x128xf32, #tpu.memory_space<vmem_shared>>) target(%dma_start3A_28 : memref<16x128xf32, #tpu.memory_space<hbm>>) target_semaphore(%run_scoped3A : memref<!tpu.dma_semaphore, #tpu.memory_space<semaphore_mem>>)
        %dma_wait3A = arith.constant 9984 : i32
        %dma_wait3A_32 = arith.constant 0 : i32
        %dma_wait3A_33 = tpu.memref_slice %arg5[%arg0, %dma_wait3A, %dma_wait3A_32] : memref<2x10000x128xf32, #tpu.memory_space<hbm>> -> memref<1x16x128xf32, #tpu.memory_space<hbm>>
        %dma_wait3A_34 = tpu.memref_squeeze %dma_wait3A_33 : memref<1x16x128xf32, #tpu.memory_space<hbm>> -> memref<16x128xf32, #tpu.memory_space<hbm>>
        %dma_wait3A_35 = arith.constant 9984 : i32
        %dma_wait3A_36 = arith.constant 0 : i32
        %dma_wait3A_37 = tpu.memref_slice %arg12[%dma_wait3A_35, %dma_wait3A_36] : memref<10000x128xf32, #tpu.memory_space<vmem_shared>> -> memref<16x128xf32, #tpu.memory_space<vmem_shared>>
        tpu.wait_dma2 semaphore(%run_scoped3A : memref<!tpu.dma_semaphore, #tpu.memory_space<semaphore_mem>>) src(%dma_wait3A_37 : memref<16x128xf32, #tpu.memory_space<vmem_shared>>) dst(%dma_wait3A_34 : memref<16x128xf32, #tpu.memory_space<hbm>>)
        tpu.yield
      }) : () -> ()
    } else {
    }
    return
  }
}

module attributes {stable_mosaic.version = 14 : i64} {
  func.func @_prep_body(%arg0: memref<65x65xf32, #tpu.memory_space<vmem>>, %arg1: memref<65x16384xf32, #tpu.memory_space<vmem>>, %arg2: memref<2x320000xi32, #tpu.memory_space<vmem>>, %arg3: memref<320000xi32, #tpu.memory_space<vmem>>, %arg4: memref<65x16384xf32, #tpu.memory_space<vmem>>, %arg5: memref<320000xi32, #tpu.memory_space<vmem>>, %arg6: memref<320000xi32, #tpu.memory_space<vmem>>) attributes {dimension_semantics = [], scalar_prefetch = 0 : i64, scratch_operands = 0 : i64, tpu.core_type = #tpu.core_type<tc>} {
    %get3A = arith.constant 0 : index
    %get3A_0 = arith.constant 0 : index
    %get3A_1 = vector.load %arg0[%get3A, %get3A_0] : memref<65x65xf32, #tpu.memory_space<vmem>>, vector<65x65xf32>
    %get3A_2 = arith.constant 0 : index
    %get3A_3 = arith.constant 0 : index
    %get3A_4 = vector.load %arg1[%get3A_2, %get3A_3] : memref<65x16384xf32, #tpu.memory_space<vmem>>, vector<65x16384xf32>
    %dot_general3A = arith.constant dense<0.000000e+00> : vector<65x16384xf32>
    %dot_general3A_5 = tpu.matmul %get3A_1, %get3A_4, %dot_general3A {dimension_numbers = #tpu.dot_dimension_numbers<[1], [0], [0], [1], [0, 0, 1, 1], [], []>, transpose_lhs_hint = false} : vector<65x65xf32>, vector<65x16384xf32>, vector<65x16384xf32> -> vector<65x16384xf32>
    %swap3A = arith.constant 0 : index
    %swap3A_6 = arith.constant 0 : index
    %swap3A_7 = vector.load %arg4[%swap3A, %swap3A_6] : memref<65x16384xf32, #tpu.memory_space<vmem>>, vector<65x16384xf32>
    tpu.vector_store %arg4[%swap3A, %swap3A_6], %dot_general3A_5 {strides = array<i32>} : memref<65x16384xf32, #tpu.memory_space<vmem>>, vector<65x16384xf32>,
    %get3A_8 = arith.constant 0 : index
    %get3A_9 = vector.load %arg3[%get3A_8] : memref<320000xi32, #tpu.memory_space<vmem>>, vector<320000xi32>
    %mul3A = arith.constant 10000 : i32
    %mul3A_10 = vector.broadcast %mul3A : i32 to vector<320000xi32>
    %mul3A_11 = arith.muli %get3A_9, %mul3A_10 : vector<320000xi32>
    %get3A_12 = arith.constant 0 : index
    %get3A_13 = arith.constant 0 : index
    %get3A_14 = vector.load %arg2[%get3A_12, %get3A_13] : memref<2x320000xi32, #tpu.memory_space<vmem>>, vector<1x320000xi32>
    %get3A_15 = vector.shape_cast %get3A_14 : vector<1x320000xi32> to vector<320000xi32>
    %add3A = arith.addi %mul3A_11, %get3A_15 : vector<320000xi32>
    %swap3A_16 = arith.constant 0 : index
    %swap3A_17 = vector.load %arg5[%swap3A_16] : memref<320000xi32, #tpu.memory_space<vmem>>, vector<320000xi32>
    tpu.vector_store %arg5[%swap3A_16], %add3A {strides = array<i32>} : memref<320000xi32, #tpu.memory_space<vmem>>, vector<320000xi32>,
    %get3A_18 = arith.constant 1 : index
    %get3A_19 = arith.constant 0 : index
    %get3A_20 = vector.load %arg2[%get3A_18, %get3A_19] : memref<2x320000xi32, #tpu.memory_space<vmem>>, vector<1x320000xi32>
    %get3A_21 = vector.shape_cast %get3A_20 : vector<1x320000xi32> to vector<320000xi32>
    %swap3A_22 = arith.constant 0 : index
    %swap3A_23 = vector.load %arg6[%swap3A_22] : memref<320000xi32, #tpu.memory_space<vmem>>, vector<320000xi32>
    tpu.vector_store %arg6[%swap3A_22], %get3A_21 {strides = array<i32>} : memref<320000xi32, #tpu.memory_space<vmem>>, vector<320000xi32>,
    return
  }
}

module attributes {stable_mosaic.version = 14 : i64} {
  func.func @_h_body(%arg0: i32, %arg1: memref<10000x128xf32, #tpu.memory_space<vmem>>, %arg2: memref<65x16384xf32, #tpu.memory_space<vmem>>, %arg3: memref<1x10000x128xf32, #tpu.memory_space<vmem>>) attributes {dimension_semantics = [#tpu.dimension_semantics<arbitrary>], iteration_bounds = array<i64: 65>, scalar_prefetch = 0 : i64, scratch_operands = 0 : i64, tpu.core_type = #tpu.core_type<tc>, window_params = [{pipeline_mode = #tpu.pipeline_mode<synchronous>, transform_indices = @transform_0, window_bounds = array<i64: 10000, 128>}, {pipeline_mode = #tpu.pipeline_mode<synchronous>, transform_indices = @transform_1, window_bounds = array<i64: 65, 16384>}, {transform_indices = @transform_2, window_bounds = array<i64: 1, 10000, 128>}]} {
    %get3A = arith.constant 0 : index
    %get3A_0 = arith.constant 0 : index
    %get3A_1 = vector.load %arg1[%get3A, %get3A_0] : memref<10000x128xf32, #tpu.memory_space<vmem>>, vector<10000x128xf32>
    %get3A_2 = arith.index_cast %arg0 : i32 to index
    %get3A_3 = arith.constant 0 : index
    %get3A_4 = vector.load %arg2[%get3A_2, %get3A_3] : memref<65x16384xf32, #tpu.memory_space<vmem>>, vector<1x16384xf32>
    %reshape3A = vector.shape_cast %get3A_4 : vector<1x16384xf32> to vector<128x128xf32>
    %dot_general3A = arith.constant dense<0.000000e+00> : vector<10000x128xf32>
    %dot_general3A_5 = tpu.matmul %get3A_1, %reshape3A, %dot_general3A {dimension_numbers = #tpu.dot_dimension_numbers<[1], [0], [0], [1], [0, 0, 1, 1], [], []>, transpose_lhs_hint = false} : vector<10000x128xf32>, vector<128x128xf32>, vector<10000x128xf32> -> vector<10000x128xf32>
    %swap3A = arith.constant 0 : index
    %swap3A_6 = arith.constant 0 : index
    %swap3A_7 = arith.constant 0 : index
    %swap3A_8 = vector.load %arg3[%swap3A, %swap3A_6, %swap3A_7] : memref<1x10000x128xf32, #tpu.memory_space<vmem>>, vector<1x10000x128xf32>
    %swap3A_9 = vector.shape_cast %swap3A_8 : vector<1x10000x128xf32> to vector<10000x128xf32>
    %swap3A_10 = vector.shape_cast %dot_general3A_5 : vector<10000x128xf32> to vector<1x10000x128xf32>
    tpu.vector_store %arg3[%swap3A, %swap3A_6, %swap3A_7], %swap3A_10 {strides = array<i32>} : memref<1x10000x128xf32, #tpu.memory_space<vmem>>, vector<1x10000x128xf32>,
    return
  }
  func.func @transform_0(%arg0: i32) -> (i32, i32) {
    %c0_i32 = arith.constant 0 : i32
    %c0_i32_0 = arith.constant 0 : i32
    %c0_i32_1 = arith.constant 0 : i32
    return %c0_i32, %c0_i32_0 : i32, i32
  }
  func.func @transform_1(%arg0: i32) -> (i32, i32) {
    %c0_i32 = arith.constant 0 : i32
    %c0_i32_0 = arith.constant 0 : i32
    %c0_i32_1 = arith.constant 0 : i32
    return %c0_i32, %c0_i32_0 : i32, i32
  }
  func.func @transform_2(%arg0: i32) -> (i32, i32, i32) {
    %c0_i32 = arith.constant 0 : i32
    %c0_i32_0 = arith.constant 0 : i32
    %c0_i32_1 = arith.constant 0 : i32
    return %arg0, %c0_i32, %c0_i32_0 : i32, i32, i32
  }
}

module attributes {stable_mosaic.version = 14 : i64} {
  func.func @_fin_body(%arg0: memref<2x10000x128xf32, #tpu.memory_space<vmem>>, %arg1: memref<1x128xf32, #tpu.memory_space<vmem>>, %arg2: memref<10000x128xf32, #tpu.memory_space<vmem>>) attributes {dimension_semantics = [], scalar_prefetch = 0 : i64, scratch_operands = 0 : i64, tpu.core_type = #tpu.core_type<tc>} {
    %get3A = arith.constant 0 : index
    %get3A_0 = arith.constant 0 : index
    %get3A_1 = arith.constant 0 : index
    %get3A_2 = vector.load %arg0[%get3A, %get3A_0, %get3A_1] : memref<2x10000x128xf32, #tpu.memory_space<vmem>>, vector<1x10000x128xf32>
    %get3A_3 = vector.shape_cast %get3A_2 : vector<1x10000x128xf32> to vector<10000x128xf32>
    %get3A_4 = arith.constant 1 : index
    %get3A_5 = arith.constant 0 : index
    %get3A_6 = arith.constant 0 : index
    %get3A_7 = vector.load %arg0[%get3A_4, %get3A_5, %get3A_6] : memref<2x10000x128xf32, #tpu.memory_space<vmem>>, vector<1x10000x128xf32>
    %get3A_8 = vector.shape_cast %get3A_7 : vector<1x10000x128xf32> to vector<10000x128xf32>
    %add3A = arith.addf %get3A_3, %get3A_8 : vector<10000x128xf32>
    %get3A_9 = arith.constant 0 : index
    %get3A_10 = arith.constant 0 : index
    %get3A_11 = vector.load %arg1[%get3A_9, %get3A_10] : memref<1x128xf32, #tpu.memory_space<vmem>>, vector<1x128xf32>
    %add3A_12 = vector.broadcast %get3A_11 : vector<1x128xf32> to vector<10000x128xf32>
    %add3A_13 = arith.addf %add3A, %add3A_12 : vector<10000x128xf32>
    %max3A = arith.constant 0.000000e+00 : f32
    %max3A_14 = vector.broadcast %max3A : f32 to vector<10000x128xf32>
    %max3A_15 = arith.maximumf %add3A_13, %max3A_14 : vector<10000x128xf32>
    %swap3A = arith.constant 0 : index
    %swap3A_16 = arith.constant 0 : index
    %swap3A_17 = vector.load %arg2[%swap3A, %swap3A_16] : memref<10000x128xf32, #tpu.memory_space<vmem>>, vector<10000x128xf32>
    tpu.vector_store %arg2[%swap3A, %swap3A_16], %max3A_15 {strides = array<i32>} : memref<10000x128xf32, #tpu.memory_space<vmem>>, vector<10000x128xf32>,
    return
  }
}

</mosaic_0001>

<sc_bundles>
// kernel: kernel.6.cloned.1.call-start
scs
__scs_entry_jumppad:
0x0: {  	(pc) =	sbr.rel $0x88, $3  }
0x1: {  	(tag) =	ssettag $0x0;
	lr =	simm.s32 $0x1  }
0x2: {  	[smem:$0x3F9B] =	sst lr;
	_ =	strace $0xD0000000  }
0x3: {  	_ = 	snop  }
0x4: {  	_ = 	snop  }
0x5: {  	_ = 	snop  }
0x6: {  	_ = 	snop  }
0x7: {  	_ = 	snop  }
__scs_overlays_trampoline_lowered:
0x8: {  	[smem:$0x3FAA] =	sst s0  }
0x9: {  	[smem:$0x3FAB] =	sst s1  }
0xa: {  	[smem:$0x3FAC] =	sst s2  }
0xb: {  	[smem:$0x3FAD] =	sst s3  }
0xc: {  	[smem:$0x3FAE] =	sst s4  }
0xd: {  	[smem:$0x3FAF] =	sst s5  }
0xe: {  	[smem:$0x3FB0] =	sst s6  }
0xf: {  	[smem:$0x3FB1] =	sst s7  }
0x10: {  	[smem:$0x3FB2] =	sst s8  }
0x11: {  	[smem:$0x3FB3] =	sst s9;
	s0 =	simm.s32 @!p0 $0x0  }
0x12: {  	s1 =	sld [smem:$0x3F99];
	s0 =	simm.s32 @p0 $0x1  }
0x13: {  	[smem:$0x3FB4] =	sst s0;
	s0 =	simm.s32 @!p1 $0x0  }
0x14: {  	s2 =	sld [smem:$0x3F98];
	s0 =	simm.s32 @p1 $0x1  }
0x15: {  	[smem:$0x3FB5] =	sst s0;
	s0 =	simm.s32 @!p2 $0x0  }
0x16: {  	s3 =	sld [smem:$0x3FDB];
	s0 =	simm.s32 @p2 $0x1  }
0x17: {  	s4 =	simm.s32 $0x1BF5;
	[smem:$0x3FB7] =	sst s0  }
0x18: {  	s0 =	sld [smem:$0x3F9A];
	_ =	swait.ge [sflag:s4], $0x0  }
0x19: {  	s7 =	sld [smem:$0x3F9B]  }
0x1a: {  	s8 =	sadd.s32 $0xFFFFE003, lr  }
0x1b: {  	s9 =	sadd.s32 $0xFFFFFEF7, lr;
	s5 =	simm.s32 $0xFFFFFFFF;
	p2 =	slt.u32 s8, $0xFFFFF086  }
0x1c: {  	p1 =	slt.u32 s9, $0xF7A;
	s5 =	simm.s32 @!p2 $0x0  }
0x1d: {  	s5 =	simm.s32 @p1 $0x1;
	p0 =	seq.s32 s7, s2  }
0x1e: {  	s7 =	smul.u32 @!p0 $0xF7A, s2;
	p2 =	seq.s32 @!p0 s5, $0x0  }
0x1f: {  	s9 =	smul.u32 $0xF7A, s1;
	s8 =	simm.s32 @!p0 $0x1BF5;
	p2 =	por !p2, p0  }
0x20: {  	[sflag:s8] =	ssyncset.s32 @!p0 $0xFFFFF086;
	s6 =	sadd.s32 @!p0 s3, s7;
	s7 =	simm.s32 @!p0 $0x108  }
0x21: {  	s3 =	sadd.s32 s3, s9;
	s6 =	sadd.s32 @!p0 $0x88, s6;
	s7 =	simm.s32 @p2 $0x1082  }
0x22: {  	[simem:s7], [sflag:s8] =	dma.local @!p0 [hbm:s6], $0xF7A  }
0x23: {  	s9 =	sor.u32 $0xD0000000, s2;
	s6 =	simm.s32 $0x108;
	_ =	swait.ge @!p0 [sflag:s8], $0x0  }
0x24: {  	s3 =	sadd.s32 $0x88, s3;
	s6 =	simm.s32 @!p1 $0x1082;
	[sflag:s4] =	ssyncset.s32 $0xFFFFF086  }
0x25: {  	[simem:s6], [sflag:s4] =	dma.local [hbm:s3], $0xF7A  }
0x26: {  	[smem:$0x3F9B] =	sst s1;
	(tag) =	ssettag s2;
	_ =	strace s9  }
0x27: {  	s1 =	sld [smem:$0x3FAB]  }
0x28: {  	s2 =	sld [smem:$0x3FAC]  }
0x29: {  	s4 =	sld [smem:$0x3FAE]  }
0x2a: {  	p0 =	seq.s32 s5, $0x0;
	s5 =	sld [smem:$0x3FAF]  }
0x2b: {  	s6 =	sld [smem:$0x3FB0]  }
0x2c: {  	s7 =	sld [smem:$0x3FB1]  }
0x2d: {  	s3 =	simm.s32 $0x108;
	s8 =	sld [smem:$0x3FB2]  }
0x2e: {  	s3 =	simm.s32 @!p0 $0x1082;
	s9 =	sld [smem:$0x3FB3]  }
0x2f: {  	lr =	sadd.s32 s0, s3;
	s0 =	sld [smem:$0x3FAA]  }
0x30: {  	s3 =	sld [smem:$0x3FAD]  }
0x31: {  	[smem:$0x3FB6] =	sst s10  }
0x32: {  	s10 =	sld [smem:$0x3FB4];
	_ =	sdelay $0x3  }
0x33: {  	p0 =	seq.s32 s10, $0x1;
	s10 =	sld [smem:$0x3FB6];
	_ =	sdelay $0x3  }
0x34: {  	[smem:$0x3FB6] =	sst s10  }
0x35: {  	s10 =	sld [smem:$0x3FB5];
	_ =	sdelay $0x3  }
0x36: {  	p1 =	seq.s32 s10, $0x1;
	s10 =	sld [smem:$0x3FB6];
	_ =	sdelay $0x3  }
0x37: {  	[smem:$0x3FB6] =	sst s10  }
0x38: {  	s10 =	sld [smem:$0x3FB7]  }
0x39: {  	_ = 	snop;
	(pc) =	sbr.ind lr, $3  }
0x3a: {  	_ = 	snop  }
0x3b: {  	_ = 	snop  }
0x3c: {  	p2 =	seq.s32 s10, $0x1;
	s10 =	sld [smem:$0x3FB6]  }
0x3d: {  	_ =	shalt  }
0x3e: {  	_ =	shalt  }
0x3f: {  	_ =	shalt  }
0x40: {  	_ =	shalt  }
0x41: {  	_ =	shalt  }
0x42: {  	_ =	shalt  }
0x43: {  	_ =	shalt  }
0x44: {  	_ =	shalt  }
0x45: {  	_ =	shalt  }
0x46: {  	_ =	shalt  }
0x47: {  	_ =	shalt  }
0x48: {  	_ =	shalt  }
0x49: {  	_ =	shalt  }
0x4a: {  	_ =	shalt  }
0x4b: {  	_ =	shalt  }
0x4c: {  	_ =	shalt  }
0x4d: {  	_ =	shalt  }
0x4e: {  	_ =	shalt  }
0x4f: {  	_ =	shalt  }
0x50: {  	_ =	shalt  }
0x51: {  	_ =	shalt  }
0x52: {  	_ =	shalt  }
0x53: {  	_ =	shalt  }
0x54: {  	_ =	shalt  }
0x55: {  	_ =	shalt  }
0x56: {  	_ =	shalt  }
0x57: {  	_ =	shalt  }
0x58: {  	_ =	shalt  }
0x59: {  	_ =	shalt  }
0x5a: {  	_ =	shalt  }
0x5b: {  	_ =	shalt  }
0x5c: {  	_ =	shalt  }
0x5d: {  	_ =	shalt  }
0x5e: {  	_ =	shalt  }
0x5f: {  	_ =	shalt  }
0x60: {  	_ =	shalt  }
0x61: {  	_ =	shalt  }
0x62: {  	_ =	shalt  }
0x63: {  	_ =	shalt  }
0x64: {  	_ =	shalt  }
0x65: {  	_ =	shalt  }
0x66: {  	_ =	shalt  }
0x67: {  	_ =	shalt  }
0x68: {  	_ =	shalt  }
0x69: {  	_ =	shalt  }
0x6a: {  	_ =	shalt  }
0x6b: {  	_ =	shalt  }
0x6c: {  	_ =	shalt  }
0x6d: {  	_ =	shalt  }
0x6e: {  	_ =	shalt  }
0x6f: {  	_ =	shalt  }
0x70: {  	_ =	shalt  }
0x71: {  	_ =	shalt  }
0x72: {  	_ =	shalt  }
0x73: {  	_ =	shalt  }
0x74: {  	_ =	shalt  }
0x75: {  	_ =	shalt  }
0x76: {  	_ =	shalt  }
0x77: {  	_ =	shalt  }
0x78: {  	_ =	shalt  }
0x79: {  	_ =	shalt  }
0x7a: {  	_ =	shalt  }
0x7b: {  	_ =	shalt  }
0x7c: {  	_ =	shalt  }
0x7d: {  	_ =	shalt  }
0x7e: {  	_ =	shalt  }
0x7f: {  	_ =	shalt  }
0x80: {  	_ =	shalt  }
0x81: {  	_ =	shalt  }
0x82: {  	_ =	shalt  }
0x83: {  	_ =	shalt  }
0x84: {  	_ =	shalt  }
0x85: {  	_ =	shalt  }
0x86: {  	_ =	shalt  }
0x87: {  	_ =	shalt  }
.Lfunc_end0:
.L_simem_size_0:
called_computation_lowered:
.L_overlay_start_0:
0x88: {  	s2 =	sld [smem:$0x3FD9]  }
0x89: {  	s3 =	sld [smem:$0x3FFE];
	_ =	sdelay $0x1  }
0x8a: {  	s1 =	srdreg.scid  }
0x8b: {  	s0 =	sand.u32 $0x1, s1  }
0x8c: {  	s17 =	sshll.u32 s0, $0xA;
	s2 =	sadd.s32 s3, s2  }
0x8d: {  	s2 =	sadd.s32 s2, s17  }
0x8e: {  	[smem:$0x3FC2] =	sst s2  }
0x8f: {  	_ = 	snop  }
0x90: {  	s2 =	sld [smem:$0x3FD0];
	(tm) =	ssettm $0x1  }
0x91: {  	s18 =	sld [smem:$0x3FFB];
	_ =	sdelay $0x3  }
0x92: {  	_ =	strace s18  }
0x93: {  	s3 =	sld [smem:$0x3FFC];
	_ =	sdelay $0x3  }
0x94: {  	_ =	strace s3  }
0x95: {  	s3 =	sld [smem:$0x3FFD];
	_ =	sdelay $0x3  }
0x96: {  	_ =	strace s3  }
0x97: {  	_ =	strace $0x8FFFFFFF  }
0x98: {  	s19 =	sld [smem:$0x3FDB];
	_ =	sdelay $0x1  }
0x99: {  	s4 =	simm.s32 $_scs_section_size  }
0x9a: {  	s5 =	simm.s32 $_size__tile_overlayer_lowered;
	s6 =	simm.s32 $_tile_overlayer_lowered  }
0x9b: {  	s22 =	simm.s32 $0x1BFF;
	s21 =	sshll.u32 s6, $0x1;
	s3 =	sadd.s32 s4, s19  }
0x9c: {  	s7 =	simm.s32 $0x0;
	s20 =	sshll.u32 s5, $0x1;
	s5 =	sadd.s32 s21, s3  }
0x9d: {  	[timem:s7], [sflag:s22] =	dma.local [hbm:s5], s20  }
0x9e: {  	_ =	swait.ge [sflag:s22], s20  }
0x9f: {  	s4 =	ssub.s32 $0x0, s20;
	[sflag:s22] =	ssyncset.done $0x0  }
0xa0: {  	[sflag:s22] =	ssyncadd.s32 s4;
	_ =	sdelay $0x1  }
0xa1: {  	s23 =	simm.s32 $0x1B8B  }
0xa2: {  	_ =	swait.ge [sflag:s23], $0x1  }
0xa3: {  	[sflag:s23] =	ssyncset.done $0x0  }
0xa4: {  	s25 =	simm.s32 $0x1B8E;
	s24 =	sld [smem:$0x3FFE];
	[sflag:s23] =	ssyncadd.s32 $0xFFFFFFFF  }
0xa5: {  	s26 =	simm.s32 $execute0_lowered;
	[smem:$0x3FD2] =	sst s25  }
0xa6: {  	s5 =	sshll.u32 s26, $0x1;
	_ =	strace $0x80000046;
	[dreg:$0x1] =	wrdreg $0xFFFFFFFF  }
0xa7: {  	s28 =	simm.s32 $_size_execute0_lowered;
	s3 =	sadd.s32 s3, s5;
	[dreg:$0x0] =	wrdreg $0x0  }
0xa8: {  	s5 =	sshll.u32 s28, $0x1;
	[dreg:$0x2] =	wrdreg s3  }
0xa9: {  	[dreg:$0x3] =	wrdreg s5  }
0xaa: {  	[dreg:$0x4] =	wrdreg $0xC0  }
0xab: {  	_ =	task [dreg:s7], $0x5FFFF  }
0xac: {  	[dreg:$0x1] =	wrdreg $0xFFFFFFFF  }
0xad: {  	[dreg:$0x0] =	wrdreg $0x60  }
0xae: {  	[dreg:$0x2] =	wrdreg s24  }
0xaf: {  	[dreg:$0x3] =	wrdreg s2  }
0xb0: {  	[dreg:$0x4] =	wrdreg $0xB0000  }
0xb1: {  	[dreg:$0x5] =	wrdreg $0x9  }
0xb2: {  	_ =	task.clear_ibuf [dreg:s7], $0x6FFFF;
	_ =	strace $0x90000046  }
0xb3: {  	s29 =	simm.s32 $0x9;
	_ =	strace $0x80000048  }
0xb4: {  	_ =	swait.ge [sflag:s29], $0x1  }
0xb5: {  	[sflag:s29] =	ssyncadd.s32 $0xFFFFFFFF  }
0xb6: {  	_ =	strace $0x90000048  }
0xb7: {  	_ =	sfence  }
0xb8: {  	s30 =	sld [smem:$0x0];
	_ =	sdelay $0x2  }
0xb9: {  	s31 =	sshll.u32 s1, $0xD;
	s1 =	sshrl.u32 s1, $0x2  }
0xba: {  	s3 =	sand.u32 $0x4000, s31;
	s1 =	sadd.s32 s1, s30  }
0xbb: {  	s0 =	sor.u32 s3, s0;
	s1 =	sshll.u32 s1, $0x11  }
0xbc: {  	s0 =	sor.u32 s1, s0  }
0xbd: {  	s0 =	sadd.s32 $0x8F2B, s0  }
0xbe: {  	[sflag:s0] =	ssyncadd.remote.s32 $0x1  }
0xbf: {  	_ =	sfence.sel $0xFFFF  }
0xc0: {  	[dreg:$0x0] =	wrdreg $0xFFFFFFFF;
	(pc) =	sbr.abs _section_cstart, $3  }
0xc1: {  	[dreg:$0x1] =	wrdreg $0xFFFFFFFF  }
0xc2: {  	_ =	task.clear_ibuf [dreg:s7], $0x2FFFF;
	_ =	strace $0x9FFFFFFF  }
0xc3: {  	(tm) =	ssettm $0x7FFFFFFF  }
tec
execute0_lowered:
.L_overlay_start_1:
0x0: {  	(tag) =	ssettag $0x1  }
0x1: {  	s0 =	srdreg.scid;
	s9 =	stileid.u32  }
0x2: {  	s0 =	sand.u32 $0x1, s0;
	s3 =	smul.u32 $0x2710, s9  }
0x3: {  	s5 =	rddreg [dreg:$0x0];
	s1 =	smul.u32 $0x27100, s0  }
0x4: {  	s4 =	rddreg [dreg:$0x1]  }
0x5: {  	s2 =	rddreg [dreg:$0x2];
	s1 =	sadd.s32 s3, s1;
	s3 =	simm.s32 $0x0  }
0x6: {  	s26 =	simm.s32 $0x850;
	[smem:$0x7FF] =	sst s3  }
0x7: {  	s7 =	simm.s32 $0x940;
	_ =	strace $0x80000047;
	[dreg:$0x6] =	wrdreg s26  }
0x8: {  	s8 =	simm.s32 $0xA0;
	[dreg:$0x9] =	wrdreg s7  }
0x9: {  	s10 =	simm.s32 $0x990;
	[dreg:$0xa] =	wrdreg s8  }
0xa: {  	s12 =	simm.s32 $0xF0;
	[dreg:$0xb] =	wrdreg s10  }
0xb: {  	s13 =	simm.s32 $0x9E0;
	[dreg:$0xc] =	wrdreg s12  }
0xc: {  	s14 =	simm.s32 $0x140;
	s15 =	simm.s32 $0xA30;
	[dreg:$0xd] =	wrdreg s13  }
0xd: {  	s17 =	simm.s32 $0x190;
	s18 =	simm.s32 $0xA80;
	[dreg:$0xe] =	wrdreg s14  }
0xe: {  	s19 =	simm.s32 $0x1E0;
	s21 =	simm.s32 $0xAD0;
	[dreg:$0xf] =	wrdreg s15  }
0xf: {  	s22 =	simm.s32 $0x230;
	s23 =	simm.s32 $0xB20;
	[dreg:$0x10] =	wrdreg s17  }
0x10: {  	s24 =	simm.s32 $0x280;
	s25 =	simm.s32 $0xB70;
	[dreg:$0x11] =	wrdreg s18  }
0x11: {  	s28 =	simm.s32 $0xEE0;
	s29 =	simm.s32 $0x640;
	[dreg:$0x12] =	wrdreg s19  }
0x12: {  	s30 =	simm.s32 $0xF30;
	s31 =	simm.s32 $0x690;
	[dreg:$0x13] =	wrdreg s21  }
0x13: {  	s20 =	smul.u32 $0x13800, s9;
	p0 =	sne.s32 s9, $0xF;
	[dreg:$0x14] =	wrdreg s22  }
0x14: {  	s11 =	ssub.s32 $0x2, s0;
	s1 =	sshrl.u32 s1, $0x3;
	[dreg:$0x15] =	wrdreg s23  }
0x15: {  	s0 =	smul.u32 $0x138800, s0;
	s6 =	sadd.s32 s1, s5;
	[dreg:$0x16] =	wrdreg s24  }
0x16: {  	s1 =	sadd.s32 s1, s4;
	s4 =	simm.s32 $0x8A0;
	[dreg:$0x17] =	wrdreg s25  }
0x17: {  	s7 =	sshrl.u32 s11, $0x1;
	s8 =	smul.u32 $0x4E000, s9;
	[dreg:$0x5] =	wrdreg s1  }
0x18: {  	s10 =	sadd.s32 $0x138000, s2;
	s26 =	simm.s32 $0x2D0;
	[dreg:$0x7] =	wrdreg s4  }
0x19: {  	s13 =	simm.s32 $0xC10;
	s14 =	simm.s32 $0x370;
	[dreg:$0x18] =	wrdreg s26  }
0x1a: {  	s15 =	simm.s32 $0xC60;
	s17 =	simm.s32 $0xCB0;
	[dreg:$0x1b] =	wrdreg s13  }
0x1b: {  	s18 =	simm.s32 $0x410;
	s19 =	simm.s32 $0xD00;
	[dreg:$0x1c] =	wrdreg s14  }
0x1c: {  	s21 =	simm.s32 $0xD50;
	s22 =	simm.s32 $0x4B0;
	[dreg:$0x1d] =	wrdreg s15  }
0x1d: {  	s23 =	simm.s32 $0xDA0;
	s24 =	simm.s32 $0x500;
	[dreg:$0x1f] =	wrdreg s17  }
0x1e: {  	s25 =	simm.s32 $0xDF0;
	s9 =	simm.s32 $0x0;
	[smem:$0x7F0] =	sst s18  }
0x1f: {  	s6 =	sadd.s32 $0x1C00, s6;
	s4 =	sadd.s32 $0xBA00, s5;
	[smem:$0x7F1] =	sst s19  }
0x20: {  	s7 =	ssub.s32 s11, s7;
	s11 =	simm.s32 $0x320;
	[smem:$0x7F3] =	sst s21  }
0x21: {  	s26 =	simm.s32 $0x1E880;
	s13 =	simm.s32 $0x50;
	[smem:$0x7F4] =	sst s22  }
0x22: {  	s14 =	simm.s32 $0x1000;
	s15 =	simm.s32 $0x3800;
	[smem:$0x7F5] =	sst s23  }
0x23: {  	s17 =	simm.s32 $0x1;
	s18 =	simm.s32 $0x8800;
	[smem:$0x7F6] =	sst s24  }
0x24: {  	s19 =	simm.s32 $0x2;
	s21 =	simm.s32 $0x3;
	[smem:$0x7F7] =	sst s25  }
0x25: {  	s1 =	simm.s32 $0x550;
	s22 =	simm.s32 $0x6;
	[smem:$0x7FC] =	sst s9  }
0x26: {  	s23 =	simm.s32 $0x4;
	s24 =	simm.s32 $0x7;
	[smem:$0x7FD] =	sst s10  }
0x27: {  	s25 =	simm.s32 $0x8;
	[dreg:$0x4] =	wrdreg s6;
	s6 =	simm.s32 $0x8F0  }
0x28: {  	s16 =	sshrl.u32 s8, $0x2;
	s8 =	sadd.s32 s20, s0;
	[dreg:$0x1a] =	wrdreg s11  }
0x29: {  	s0 =	sshrl.u32 s0, $0x3;
	s12 =	smax.u32 s7, $0x1;
	[smem:$0x7F8] =	sst s1  }
0x2a: {  	s11 =	simm.s32 $0x9;
	s20 =	simm.s32 $0x460;
	[dreg:$0x8] =	wrdreg s6  }
0x2b: {  	s7 =	simm.s32 $0x5A0;
	s1 =	simm.s32 $0xF80;
	[smem:$0x7EF] =	sst s12  }
0x2c: {  	s6 =	sadd.s32 $0x9F6C00, s5;
	s5 =	sadd.s32 s16, s2;
	[smem:$0x7F2] =	sst s20  }
0x2d: {  	s8 =	sshrl.u32 s8, $0x3;
	s16 =	simm.s32 $0x3C0;
	[smem:$0x7FA] =	sst s7  }
0x2e: {  	s12 =	simm.s32 $0x800;
	s8 =	sadd.s32 s6, s8;
	[dreg:$0x1e] =	wrdreg s16  }
0x2f: {  	s0 =	sadd.s32 s6, s0;
	s6 =	simm.s32 $0xE40;
	[smem:$0x7ED] =	sst s8  }
0x30: {  	s20 =	simm.s32 $0x5;
	s0 =	sadd.s32 $0x27000, s0;
	[smem:$0x7F9] =	sst s6  }
0x31: {  	s7 =	simm.s32 $0x730;
	s8 =	simm.s32 $0xBC0;
	[smem:$0x7EE] =	sst s0  }
0x32: {  	s16 =	simm.s32 $0x6000;
	[dreg:$0x19] =	wrdreg s8;
	s8 =	simm.s32 $0xE90  }
0x33: {  	v0 =	vimm.f32 $0.0e+00;
	s0 =	simm.s32 $0x6E0;
	[smem:$0x7FB] =	sst s8;
	s8 =	simm.s32 $0x780  }
.LBB2_1:
0x34: {  	s6 =	simm.s32 $0x0;
	s9 =	simm.s32 $0x200  }
.LBB2_2:
0x35: {  	p1 =	sne.s32 s9, $0x1E00;
	[tilespmem:s6+$0x1E8F0] =	vst v0  }
0x36: {  	[tilespmem:s6+$0x1E880] =	vst v0  }
0x37: {  	[tilespmem:s6+$0x1E890] =	vst v0  }
.Ltmp0:
0x38: {  	[tilespmem:s6+$0x1E8A0] =	vst v0;
	(pc) =	sbr.rel @p1 .LBB2_2-.Ltmp0, $4  }
0x39: {  	[tilespmem:s6+$0x1E8B0] =	vst v0  }
0x3a: {  	[tilespmem:s6+$0x1E8C0] =	vst v0  }
0x3b: {  	[tilespmem:s6+$0x1E8D0] =	vst v0  }
0x3c: {  	[tilespmem:s6+$0x1E8E0] =	vst v0;
	s6 =	sshra.s32 s9, $0x2;
	s9 =	sadd.s32 $0x200, s9  }
0x3d: {  	[tilespmem:s6+$0x1E8F0] =	vst v0  }
0x3e: {  	[tilespmem:s6+$0x1E880] =	vst v0  }
0x3f: {  	[tilespmem:s6+$0x1E890] =	vst v0  }
0x40: {  	[tilespmem:s6+$0x1E8A0] =	vst v0  }
0x41: {  	[tilespmem:s6+$0x1E8B0] =	vst v0  }
0x42: {  	[tilespmem:s6+$0x1E8C0] =	vst v0  }
0x43: {  	[tilespmem:s6+$0x1E8D0] =	vst v0  }
0x44: {  	[tilespmem:s6+$0x1E8E0] =	vst v0;
	s9 =	sadd.s32 $0x0, s5  }
0x45: {  	[spmem:s9] =	stream.linear.scatter [tilespmem:s26], [sflag:$0x9], $0x800, $0x38;
	[tilespmem:$0x1F080] =	vst v63  }
0x46: {  	s6 =	simm.s32 $0x2000;
	_ =	swait.ge [sflag:s11], $0x800  }
.LBB2_4:
0x47: {  	s9 =	sshra.s32 s6, $0x2;
	[sflag:s11] =	ssyncset.done $0x0;
	p1 =	sne.s32 s6, $0x4C000  }
.Ltmp1:
0x48: {  	s9 =	sadd.s32 s9, s5;
	[sflag:s11] =	ssyncadd.s32 $0xFFFFF800;
	(pc) =	sbr.rel @p1 .LBB2_4-.Ltmp1, $3  }
0x49: {  	[spmem:s9] =	stream.linear.scatter [tilespmem:s26], [sflag:$0x9], $0x800, $0x38;
	[tilespmem:$0x1F080] =	vst v63  }
0x4a: {  	s6 =	sadd.s32 $0x2000, s6;
	_ =	sdelay $0x1  }
0x4b: {  	_ =	swait.ge [sflag:s11], $0x800  }
0x4c: {  	[sflag:s11] =	ssyncset.done $0x0  }
0x4d: {  	s6 =	simm.s32 @!p0 $0x1E880;
	[sflag:s11] =	ssyncadd.s32 $0xFFFFF800  }
0x4e: {  	[spmem:s10] =	stream.linear.scatter @!p0 [tilespmem:s6], [sflag:$0x9], $0x800, $0x38;
	[tilespmem:$0x1F080] =	vst v63  }
0x4f: {  	s6 =	simm.s32 @!p0 $0x9  }
0x50: {  	_ =	swait.ge @!p0 [sflag:s6], $0x800  }
0x51: {  	[sflag:s6] =	ssyncset.done @!p0 $0x0  }
0x52: {  	[sflag:s6] =	ssyncadd.s32 @!p0 $0xFFFFF800  }
0x53: {  	[bflag:$0x0] =	sbarrier.arrive $0xFFFF  }
0x54: {  	s26 =	rddreg [dreg:$0x5]  }
0x55: {  	s6 =	sadd.s32 $0x0, s26  }
0x56: {  	[tilespmem:s12], [sflag:$0x9] =	stream.linear.gather [hbm4b:s6+s3], $0x7D0, $0x38;
	[tilespmem:$0x1F080] =	vst v63  }
0x57: {  	_ =	swait.ge [sflag:s11], $0x7D0  }
0x58: {  	s9 =	rddreg [dreg:$0x4];
	[sflag:s11] =	ssyncset.done $0x0  }
0x59: {  	[sflag:s11] =	ssyncadd.s32 $0xFFFFF830;
	s6 =	sadd.s32 $0x0, s9  }
0x5a: {  	[tilespmem:s3], [sflag:$0x9] =	stream.linear.gather [hbm4b:s6+s3], $0x7D0, $0x38;
	[tilespmem:$0x1F080] =	vst v63  }
0x5b: {  	_ =	swait.ge [sflag:s11], $0x7D0  }
0x5c: {  	[sflag:s11] =	ssyncset.done $0x0  }
0x5d: {  	[sflag:s11] =	ssyncadd.s32 $0xFFFFF830  }
0x5e: {  	[tilespmem:s14], [sflag:$0x1] =	stream.indirect.gather [hbm4b:s4+s13], $0x80, s12, s13, $0xb8;
	[tilespmem:$0x1F080] =	vst v63  }
0x5f: {  	s10 =	rddreg [dreg:$0x6]  }
0x60: {  	[tilespmem:s15], [sflag:$0x2] =	stream.indirect.gather [hbm4b:s4+s13], $0x80, s10, s13, $0xb8;
	[tilespmem:$0x1F080] =	vst v63  }
0x61: {  	s9 =	rddreg [dreg:$0x7]  }
0x62: {  	[tilespmem:s16], [sflag:$0x3] =	stream.indirect.gather [hbm4b:s4+s13], $0x80, s9, s13, $0xb8;
	[tilespmem:$0x1F080] =	vst v63  }
0x63: {  	_ =	swait.ge [sflag:s17], $0x2800  }
0x64: {  	[sflag:s17] =	ssyncset.done $0x0  }
0x65: {  	[sflag:s17] =	ssyncadd.s32 $0xFFFFD800  }
0x66: {  	[spmem:s2] =	stream.indirect.scatter.add.f32 [tilespmem:s14], [sflag:$0x5], $0x80, s3, s13, $0xb8;
	[tilespmem:$0x1F080] =	vst v63  }
0x67: {  	s26 =	rddreg [dreg:$0x8]  }
0x68: {  	[tilespmem:s18], [sflag:$0x4] =	stream.indirect.gather [hbm4b:s4+s13], $0x80, s26, s13, $0xb8;
	[tilespmem:$0x1F080] =	vst v63  }
0x69: {  	_ =	swait.ge [sflag:s19], $0x2800  }
0x6a: {  	[sflag:s19] =	ssyncset.done $0x0  }
0x6b: {  	[sflag:s19] =	ssyncadd.s32 $0xFFFFD800  }
0x6c: {  	[spmem:s2] =	stream.indirect.scatter.add.f32 [tilespmem:s15], [sflag:$0x6], $0x80, s13, s13, $0xb8;
	[tilespmem:$0x1F080] =	vst v63  }
0x6d: {  	_ =	swait.ge [sflag:s20], $0x2800  }
0x6e: {  	[sflag:s20] =	ssyncset.done $0x0  }
0x6f: {  	s9 =	rddreg [dreg:$0x9];
	[sflag:s20] =	ssyncadd.s32 $0xFFFFD800  }
0x70: {  	[tilespmem:s14], [sflag:$0x1] =	stream.indirect.gather [hbm4b:s4+s13], $0x80, s9, s13, $0xb8;
	[tilespmem:$0x1F080] =	vst v63  }
0x71: {  	_ =	swait.ge [sflag:s21], $0x2800  }
0x72: {  	[sflag:s21] =	ssyncset.done $0x0  }
0x73: {  	s10 =	rddreg [dreg:$0xa];
	[sflag:s21] =	ssyncadd.s32 $0xFFFFD800  }
0x74: {  	[spmem:s2] =	stream.indirect.scatter.add.f32 [tilespmem:s16], [sflag:$0x7], $0x80, s10, s13, $0xb8;
	[tilespmem:$0x1F080] =	vst v63  }
0x75: {  	_ =	swait.ge [sflag:s22], $0x2800  }
0x76: {  	[sflag:s22] =	ssyncset.done $0x0  }
0x77: {  	s26 =	rddreg [dreg:$0xb];
	[sflag:s22] =	ssyncadd.s32 $0xFFFFD800  }
0x78: {  	[tilespmem:s15], [sflag:$0x2] =	stream.indirect.gather [hbm4b:s4+s13], $0x80, s26, s13, $0xb8;
	[tilespmem:$0x1F080] =	vst v63  }
0x79: {  	_ =	swait.ge [sflag:s23], $0x2800  }
0x7a: {  	[sflag:s23] =	ssyncset.done $0x0  }
0x7b: {  	s9 =	rddreg [dreg:$0xc];
	[sflag:s23] =	ssyncadd.s32 $0xFFFFD800  }
0x7c: {  	[spmem:s2] =	stream.indirect.scatter.add.f32 [tilespmem:s18], [sflag:$0x8], $0x80, s9, s13, $0xb8;
	[tilespmem:$0x1F080] =	vst v63  }
0x7d: {  	_ =	swait.ge [sflag:s24], $0x2800  }
0x7e: {  	[sflag:s24] =	ssyncset.done $0x0  }
0x7f: {  	s10 =	rddreg [dreg:$0xd];
	[sflag:s24] =	ssyncadd.s32 $0xFFFFD800  }
0x80: {  	[tilespmem:s16], [sflag:$0x3] =	stream.indirect.gather [hbm4b:s4+s13], $0x80, s10, s13, $0xb8;
	[tilespmem:$0x1F080] =	vst v63  }
0x81: {  	_ =	swait.ge [sflag:s17], $0x2800  }
0x82: {  	[sflag:s17] =	ssyncset.done $0x0  }
0x83: {  	s26 =	rddreg [dreg:$0xe];
	[sflag:s17] =	ssyncadd.s32 $0xFFFFD800  }
0x84: {  	[spmem:s2] =	stream.indirect.scatter.add.f32 [tilespmem:s14], [sflag:$0x5], $0x80, s26, s13, $0xb8;
	[tilespmem:$0x1F080] =	vst v63  }
0x85: {  	_ =	swait.ge [sflag:s25], $0x2800  }
0x86: {  	[sflag:s25] =	ssyncset.done $0x0  }
0x87: {  	s9 =	rddreg [dreg:$0xf];
	[sflag:s25] =	ssyncadd.s32 $0xFFFFD800  }
0x88: {  	[tilespmem:s18], [sflag:$0x4] =	stream.indirect.gather [hbm4b:s4+s13], $0x80, s9, s13, $0xb8;
	[tilespmem:$0x1F080] =	vst v63  }
0x89: {  	_ =	swait.ge [sflag:s19], $0x2800  }
0x8a: {  	[sflag:s19] =	ssyncset.done $0x0  }
0x8b: {  	s10 =	rddreg [dreg:$0x10];
	[sflag:s19] =	ssyncadd.s32 $0xFFFFD800  }
0x8c: {  	[spmem:s2] =	stream.indirect.scatter.add.f32 [tilespmem:s15], [sflag:$0x6], $0x80, s10, s13, $0xb8;
	[tilespmem:$0x1F080] =	vst v63  }
0x8d: {  	_ =	swait.ge [sflag:s20], $0x2800  }
0x8e: {  	[sflag:s20] =	ssyncset.done $0x0  }
0x8f: {  	s26 =	rddreg [dreg:$0x11];
	[sflag:s20] =	ssyncadd.s32 $0xFFFFD800  }
0x90: {  	[tilespmem:s14], [sflag:$0x1] =	stream.indirect.gather [hbm4b:s4+s13], $0x80, s26, s13, $0xb8;
	[tilespmem:$0x1F080] =	vst v63  }
0x91: {  	_ =	swait.ge [sflag:s21], $0x2800  }
0x92: {  	[sflag:s21] =	ssyncset.done $0x0  }
0x93: {  	s9 =	rddreg [dreg:$0x12];
	[sflag:s21] =	ssyncadd.s32 $0xFFFFD800  }
0x94: {  	[spmem:s2] =	stream.indirect.scatter.add.f32 [tilespmem:s16], [sflag:$0x7], $0x80, s9, s13, $0xb8;
	[tilespmem:$0x1F080] =	vst v63  }
0x95: {  	_ =	swait.ge [sflag:s22], $0x2800  }
0x96: {  	[sflag:s22] =	ssyncset.done $0x0  }
0x97: {  	s10 =	rddreg [dreg:$0x13];
	[sflag:s22] =	ssyncadd.s32 $0xFFFFD800  }
0x98: {  	[tilespmem:s15], [sflag:$0x2] =	stream.indirect.gather [hbm4b:s4+s13], $0x80, s10, s13, $0xb8;
	[tilespmem:$0x1F080] =	vst v63  }
0x99: {  	_ =	swait.ge [sflag:s23], $0x2800  }
0x9a: {  	[sflag:s23] =	ssyncset.done $0x0  }
0x9b: {  	s26 =	rddreg [dreg:$0x14];
	[sflag:s23] =	ssyncadd.s32 $0xFFFFD800  }
0x9c: {  	[spmem:s2] =	stream.indirect.scatter.add.f32 [tilespmem:s18], [sflag:$0x8], $0x80, s26, s13, $0xb8;
	[tilespmem:$0x1F080] =	vst v63  }
0x9d: {  	_ =	swait.ge [sflag:s24], $0x2800  }
0x9e: {  	[sflag:s24] =	ssyncset.done $0x0  }
0x9f: {  	s9 =	rddreg [dreg:$0x15];
	[sflag:s24] =	ssyncadd.s32 $0xFFFFD800  }
0xa0: {  	[tilespmem:s16], [sflag:$0x3] =	stream.indirect.gather [hbm4b:s4+s13], $0x80, s9, s13, $0xb8;
	[tilespmem:$0x1F080] =	vst v63  }
0xa1: {  	_ =	swait.ge [sflag:s17], $0x2800  }
0xa2: {  	[sflag:s17] =	ssyncset.done $0x0  }
0xa3: {  	s10 =	rddreg [dreg:$0x16];
	[sflag:s17] =	ssyncadd.s32 $0xFFFFD800  }
0xa4: {  	[spmem:s2] =	stream.indirect.scatter.add.f32 [tilespmem:s14], [sflag:$0x5], $0x80, s10, s13, $0xb8;
	[tilespmem:$0x1F080] =	vst v63  }
0xa5: {  	_ =	swait.ge [sflag:s25], $0x2800  }
0xa6: {  	[sflag:s25] =	ssyncset.done $0x0  }
0xa7: {  	s26 =	rddreg [dreg:$0x17];
	[sflag:s25] =	ssyncadd.s32 $0xFFFFD800  }
0xa8: {  	[tilespmem:s18], [sflag:$0x4] =	stream.indirect.gather [hbm4b:s4+s13], $0x80, s26, s13, $0xb8;
	[tilespmem:$0x1F080] =	vst v63  }
0xa9: {  	_ =	swait.ge [sflag:s19], $0x2800  }
0xaa: {  	[sflag:s19] =	ssyncset.done $0x0  }
0xab: {  	s9 =	rddreg [dreg:$0x18];
	[sflag:s19] =	ssyncadd.s32 $0xFFFFD800  }
0xac: {  	[spmem:s2] =	stream.indirect.scatter.add.f32 [tilespmem:s15], [sflag:$0x6], $0x80, s9, s13, $0xb8;
	[tilespmem:$0x1F080] =	vst v63  }
0xad: {  	_ =	swait.ge [sflag:s20], $0x2800  }
0xae: {  	[sflag:s20] =	ssyncset.done $0x0  }
0xaf: {  	s10 =	rddreg [dreg:$0x19];
	[sflag:s20] =	ssyncadd.s32 $0xFFFFD800  }
0xb0: {  	[tilespmem:s14], [sflag:$0x1] =	stream.indirect.gather [hbm4b:s4+s13], $0x80, s10, s13, $0xb8;
	[tilespmem:$0x1F080] =	vst v63  }
0xb1: {  	_ =	swait.ge [sflag:s21], $0x2800  }
0xb2: {  	[sflag:s21] =	ssyncset.done $0x0  }
0xb3: {  	s26 =	rddreg [dreg:$0x1a];
	[sflag:s21] =	ssyncadd.s32 $0xFFFFD800  }
0xb4: {  	[spmem:s2] =	stream.indirect.scatter.add.f32 [tilespmem:s16], [sflag:$0x7], $0x80, s26, s13, $0xb8;
	[tilespmem:$0x1F080] =	vst v63  }
0xb5: {  	_ =	swait.ge [sflag:s22], $0x2800  }
0xb6: {  	[sflag:s22] =	ssyncset.done $0x0  }
0xb7: {  	s9 =	rddreg [dreg:$0x1b];
	[sflag:s22] =	ssyncadd.s32 $0xFFFFD800  }
0xb8: {  	[tilespmem:s15], [sflag:$0x2] =	stream.indirect.gather [hbm4b:s4+s13], $0x80, s9, s13, $0xb8;
	[tilespmem:$0x1F080] =	vst v63  }
0xb9: {  	_ =	swait.ge [sflag:s23], $0x2800  }
0xba: {  	[sflag:s23] =	ssyncset.done $0x0  }
0xbb: {  	s10 =	rddreg [dreg:$0x1c];
	[sflag:s23] =	ssyncadd.s32 $0xFFFFD800  }
0xbc: {  	[spmem:s2] =	stream.indirect.scatter.add.f32 [tilespmem:s18], [sflag:$0x8], $0x80, s10, s13, $0xb8;
	[tilespmem:$0x1F080] =	vst v63  }
0xbd: {  	_ =	swait.ge [sflag:s24], $0x2800  }
0xbe: {  	[sflag:s24] =	ssyncset.done $0x0  }
0xbf: {  	s26 =	rddreg [dreg:$0x1d];
	[sflag:s24] =	ssyncadd.s32 $0xFFFFD800  }
0xc0: {  	[tilespmem:s16], [sflag:$0x3] =	stream.indirect.gather [hbm4b:s4+s13], $0x80, s26, s13, $0xb8;
	[tilespmem:$0x1F080] =	vst v63  }
0xc1: {  	_ =	swait.ge [sflag:s17], $0x2800  }
0xc2: {  	[sflag:s17] =	ssyncset.done $0x0  }
0xc3: {  	s9 =	rddreg [dreg:$0x1e];
	[sflag:s17] =	ssyncadd.s32 $0xFFFFD800  }
0xc4: {  	[spmem:s2] =	stream.indirect.scatter.add.f32 [tilespmem:s14], [sflag:$0x5], $0x80, s9, s13, $0xb8;
	[tilespmem:$0x1F080] =	vst v63  }
0xc5: {  	_ =	swait.ge [sflag:s25], $0x2800  }
0xc6: {  	[sflag:s25] =	ssyncset.done $0x0  }
0xc7: {  	s10 =	rddreg [dreg:$0x1f];
	[sflag:s25] =	ssyncadd.s32 $0xFFFFD800  }
0xc8: {  	[tilespmem:s18], [sflag:$0x4] =	stream.indirect.gather [hbm4b:s4+s13], $0x80, s10, s13, $0xb8;
	[tilespmem:$0x1F080] =	vst v63  }
0xc9: {  	_ =	swait.ge [sflag:s19], $0x2800  }
0xca: {  	s26 =	sld [smem:$0x7F0]  }
0xcb: {  	[sflag:s19] =	ssyncset.done $0x0  }
0xcc: {  	[sflag:s19] =	ssyncadd.s32 $0xFFFFD800  }
0xcd: {  	[spmem:s2] =	stream.indirect.scatter.add.f32 [tilespmem:s15], [sflag:$0x6], $0x80, s26, s13, $0xb8;
	[tilespmem:$0x1F080] =	vst v63  }
0xce: {  	_ =	swait.ge [sflag:s20], $0x2800  }
0xcf: {  	s9 =	sld [smem:$0x7F1]  }
0xd0: {  	[sflag:s20] =	ssyncset.done $0x0  }
0xd1: {  	[sflag:s20] =	ssyncadd.s32 $0xFFFFD800  }
0xd2: {  	[tilespmem:s14], [sflag:$0x1] =	stream.indirect.gather [hbm4b:s4+s13], $0x80, s9, s13, $0xb8;
	[tilespmem:$0x1F080] =	vst v63  }
0xd3: {  	_ =	swait.ge [sflag:s21], $0x2800  }
0xd4: {  	s10 =	sld [smem:$0x7F2]  }
0xd5: {  	[sflag:s21] =	ssyncset.done $0x0  }
0xd6: {  	[sflag:s21] =	ssyncadd.s32 $0xFFFFD800  }
0xd7: {  	[spmem:s2] =	stream.indirect.scatter.add.f32 [tilespmem:s16], [sflag:$0x7], $0x80, s10, s13, $0xb8;
	[tilespmem:$0x1F080] =	vst v63  }
0xd8: {  	_ =	swait.ge [sflag:s22], $0x2800  }
0xd9: {  	s26 =	sld [smem:$0x7F3]  }
0xda: {  	[sflag:s22] =	ssyncset.done $0x0  }
0xdb: {  	[sflag:s22] =	ssyncadd.s32 $0xFFFFD800  }
0xdc: {  	[tilespmem:s15], [sflag:$0x2] =	stream.indirect.gather [hbm4b:s4+s13], $0x80, s26, s13, $0xb8;
	[tilespmem:$0x1F080] =	vst v63  }
0xdd: {  	_ =	swait.ge [sflag:s23], $0x2800  }
0xde: {  	s9 =	sld [smem:$0x7F4]  }
0xdf: {  	[sflag:s23] =	ssyncset.done $0x0  }
0xe0: {  	[sflag:s23] =	ssyncadd.s32 $0xFFFFD800  }
0xe1: {  	[spmem:s2] =	stream.indirect.scatter.add.f32 [tilespmem:s18], [sflag:$0x8], $0x80, s9, s13, $0xb8;
	[tilespmem:$0x1F080] =	vst v63  }
0xe2: {  	_ =	swait.ge [sflag:s24], $0x2800  }
0xe3: {  	s10 =	sld [smem:$0x7F5]  }
0xe4: {  	[sflag:s24] =	ssyncset.done $0x0  }
0xe5: {  	[sflag:s24] =	ssyncadd.s32 $0xFFFFD800  }
0xe6: {  	[tilespmem:s16], [sflag:$0x3] =	stream.indirect.gather [hbm4b:s4+s13], $0x80, s10, s13, $0xb8;
	[tilespmem:$0x1F080] =	vst v63  }
0xe7: {  	_ =	swait.ge [sflag:s17], $0x2800  }
0xe8: {  	s26 =	sld [smem:$0x7F6]  }
0xe9: {  	[sflag:s17] =	ssyncset.done $0x0  }
0xea: {  	[sflag:s17] =	ssyncadd.s32 $0xFFFFD800  }
0xeb: {  	[spmem:s2] =	stream.indirect.scatter.add.f32 [tilespmem:s14], [sflag:$0x5], $0x80, s26, s13, $0xb8;
	[tilespmem:$0x1F080] =	vst v63  }
0xec: {  	_ =	swait.ge [sflag:s25], $0x2800  }
0xed: {  	s9 =	sld [smem:$0x7F7]  }
0xee: {  	[sflag:s25] =	ssyncset.done $0x0  }
0xef: {  	[sflag:s25] =	ssyncadd.s32 $0xFFFFD800  }
0xf0: {  	[tilespmem:s18], [sflag:$0x4] =	stream.indirect.gather [hbm4b:s4+s13], $0x80, s9, s13, $0xb8;
	[tilespmem:$0x1F080] =	vst v63  }
0xf1: {  	_ =	swait.ge [sflag:s19], $0x2800  }
0xf2: {  	s10 =	sld [smem:$0x7F8]  }
0xf3: {  	[sflag:s19] =	ssyncset.done $0x0  }
0xf4: {  	[sflag:s19] =	ssyncadd.s32 $0xFFFFD800  }
0xf5: {  	[spmem:s2] =	stream.indirect.scatter.add.f32 [tilespmem:s15], [sflag:$0x6], $0x80, s10, s13, $0xb8;
	[tilespmem:$0x1F080] =	vst v63  }
0xf6: {  	_ =	swait.ge [sflag:s20], $0x2800  }
0xf7: {  	s26 =	sld [smem:$0x7F9]  }
0xf8: {  	[sflag:s20] =	ssyncset.done $0x0  }
0xf9: {  	[sflag:s20] =	ssyncadd.s32 $0xFFFFD800  }
0xfa: {  	[tilespmem:s14], [sflag:$0x1] =	stream.indirect.gather [hbm4b:s4+s13], $0x80, s26, s13, $0xb8;
	[tilespmem:$0x1F080] =	vst v63  }
0xfb: {  	_ =	swait.ge [sflag:s21], $0x2800  }
0xfc: {  	s9 =	sld [smem:$0x7FA]  }
0xfd: {  	[sflag:s21] =	ssyncset.done $0x0  }
0xfe: {  	[sflag:s21] =	ssyncadd.s32 $0xFFFFD800  }
0xff: {  	[spmem:s2] =	stream.indirect.scatter.add.f32 [tilespmem:s16], [sflag:$0x7], $0x80, s9, s13, $0xb8;
	[tilespmem:$0x1F080] =	vst v63  }
0x100: {  	_ =	swait.ge [sflag:s22], $0x2800  }
0x101: {  	s10 =	sld [smem:$0x7FB]  }
0x102: {  	[sflag:s22] =	ssyncset.done $0x0  }
0x103: {  	[sflag:s22] =	ssyncadd.s32 $0xFFFFD800  }
0x104: {  	[tilespmem:s15], [sflag:$0x2] =	stream.indirect.gather [hbm4b:s4+s13], $0x80, s10, s13, $0xb8;
	[tilespmem:$0x1F080] =	vst v63  }
0x105: {  	_ =	swait.ge [sflag:s23], $0x2800  }
0x106: {  	[sflag:s23] =	ssyncset.done $0x0  }
0x107: {  	s26 =	simm.s32 $0x5F0;
	[sflag:s23] =	ssyncadd.s32 $0xFFFFD800  }
0x108: {  	[spmem:s2] =	stream.indirect.scatter.add.f32 [tilespmem:s18], [sflag:$0x8], $0x80, s26, s13, $0xb8;
	[tilespmem:$0x1F080] =	vst v63  }
0x109: {  	_ =	swait.ge [sflag:s24], $0x2800  }
0x10a: {  	[sflag:s24] =	ssyncset.done $0x0  }
0x10b: {  	[sflag:s24] =	ssyncadd.s32 $0xFFFFD800  }
0x10c: {  	[tilespmem:s16], [sflag:$0x3] =	stream.indirect.gather [hbm4b:s4+s13], $0x80, s28, s13, $0xb8;
	[tilespmem:$0x1F080] =	vst v63  }
0x10d: {  	_ =	swait.ge [sflag:s17], $0x2800  }
0x10e: {  	[sflag:s17] =	ssyncset.done $0x0  }
0x10f: {  	[sflag:s17] =	ssyncadd.s32 $0xFFFFD800  }
0x110: {  	[spmem:s2] =	stream.indirect.scatter.add.f32 [tilespmem:s14], [sflag:$0x5], $0x80, s29, s13, $0xb8;
	[tilespmem:$0x1F080] =	vst v63  }
0x111: {  	_ =	swait.ge [sflag:s25], $0x2800  }
0x112: {  	[sflag:s25] =	ssyncset.done $0x0  }
0x113: {  	[sflag:s25] =	ssyncadd.s32 $0xFFFFD800  }
0x114: {  	[tilespmem:s18], [sflag:$0x4] =	stream.indirect.gather [hbm4b:s4+s13], $0x80, s30, s13, $0xb8;
	[tilespmem:$0x1F080] =	vst v63  }
0x115: {  	_ =	swait.ge [sflag:s19], $0x2800  }
0x116: {  	[sflag:s19] =	ssyncset.done $0x0  }
0x117: {  	[sflag:s19] =	ssyncadd.s32 $0xFFFFD800  }
0x118: {  	[spmem:s2] =	stream.indirect.scatter.add.f32 [tilespmem:s15], [sflag:$0x6], $0x80, s31, s13, $0xb8;
	[tilespmem:$0x1F080] =	vst v63  }
0x119: {  	_ =	swait.ge [sflag:s20], $0x2800  }
0x11a: {  	[sflag:s20] =	ssyncset.done $0x0  }
0x11b: {  	[sflag:s20] =	ssyncadd.s32 $0xFFFFD800  }
0x11c: {  	[tilespmem:s14], [sflag:$0x1] =	stream.indirect.gather [hbm4b:s4+s13], $0x80, s1, s13, $0xb8;
	[tilespmem:$0x1F080] =	vst v63  }
0x11d: {  	_ =	swait.ge [sflag:s21], $0x2800  }
0x11e: {  	[sflag:s21] =	ssyncset.done $0x0  }
0x11f: {  	[sflag:s21] =	ssyncadd.s32 $0xFFFFD800  }
0x120: {  	[spmem:s2] =	stream.indirect.scatter.add.f32 [tilespmem:s16], [sflag:$0x7], $0x80, s0, s13, $0xb8;
	[tilespmem:$0x1F080] =	vst v63  }
0x121: {  	_ =	swait.ge [sflag:s22], $0x2800  }
0x122: {  	[sflag:s22] =	ssyncset.done $0x0  }
0x123: {  	[sflag:s22] =	ssyncadd.s32 $0xFFFFD800  }
0x124: {  	_ =	swait.ge [sflag:s23], $0x2800  }
0x125: {  	[sflag:s23] =	ssyncset.done $0x0  }
0x126: {  	[sflag:s23] =	ssyncadd.s32 $0xFFFFD800  }
0x127: {  	[spmem:s2] =	stream.indirect.scatter.add.f32 [tilespmem:s18], [sflag:$0x8], $0x80, s7, s13, $0xb8;
	[tilespmem:$0x1F080] =	vst v63  }
0x128: {  	_ =	swait.ge [sflag:s24], $0x2800  }
0x129: {  	[sflag:s24] =	ssyncset.done $0x0  }
0x12a: {  	[sflag:s24] =	ssyncadd.s32 $0xFFFFD800  }
0x12b: {  	_ =	swait.ge [sflag:s17], $0x2800  }
0x12c: {  	[sflag:s17] =	ssyncset.done $0x0  }
0x12d: {  	[sflag:s17] =	ssyncadd.s32 $0xFFFFD800  }
0x12e: {  	[spmem:s2] =	stream.indirect.scatter.add.f32 [tilespmem:s14], [sflag:$0x5], $0x80, s8, s13, $0xb8;
	[tilespmem:$0x1F080] =	vst v63  }
0x12f: {  	_ =	swait.ge [sflag:s25], $0x2800  }
0x130: {  	[sflag:s25] =	ssyncset.done $0x0  }
0x131: {  	[sflag:s25] =	ssyncadd.s32 $0xFFFFD800  }
0x132: {  	s6 =	simm.s32 $0xFA;
	_ =	swait.ge [sflag:s20], $0x2800  }
0x133: {  	s9 =	simm.s32 $0x1F4;
	s10 =	rddreg [dreg:$0x5];
	[sflag:s20] =	ssyncset.done $0x0  }
.LBB2_6:
0x134: {  	[sflag:s20] =	ssyncadd.s32 $0xFFFFD800;
	s10 =	sadd.s32 s6, s10  }
0x135: {  	[tilespmem:s12], [sflag:$0x9] =	stream.linear.gather [hbm4b:s10+s3], $0x7D0, $0x38;
	[tilespmem:$0x1F080] =	vst v63  }
0x136: {  	_ =	swait.ge [sflag:s11], $0x7D0  }
0x137: {  	s10 =	rddreg [dreg:$0x4];
	[sflag:s11] =	ssyncset.done $0x0  }
0x138: {  	[sflag:s11] =	ssyncadd.s32 $0xFFFFF830;
	s10 =	sadd.s32 s6, s10  }
0x139: {  	[tilespmem:s3], [sflag:$0x9] =	stream.linear.gather [hbm4b:s10+s3], $0x7D0, $0x38;
	[tilespmem:$0x1F080] =	vst v63  }
0x13a: {  	_ =	swait.ge [sflag:s11], $0x7D0  }
0x13b: {  	[sflag:s11] =	ssyncset.done $0x0  }
0x13c: {  	[sflag:s11] =	ssyncadd.s32 $0xFFFFF830  }
0x13d: {  	[tilespmem:s14], [sflag:$0x1] =	stream.indirect.gather [hbm4b:s4+s13], $0x80, s12, s13, $0xb8;
	[tilespmem:$0x1F080] =	vst v63  }
0x13e: {  	s26 =	smov.u32 s9;
	s10 =	rddreg [dreg:$0x6]  }
0x13f: {  	[tilespmem:s15], [sflag:$0x2] =	stream.indirect.gather [hbm4b:s4+s13], $0x80, s10, s13, $0xb8;
	[tilespmem:$0x1F080] =	vst v63  }
0x140: {  	s6 =	smov.u32 s26;
	s26 =	rddreg [dreg:$0x7]  }
0x141: {  	[tilespmem:s16], [sflag:$0x3] =	stream.indirect.gather [hbm4b:s4+s13], $0x80, s26, s13, $0xb8;
	[tilespmem:$0x1F080] =	vst v63  }
0x142: {  	_ =	swait.ge [sflag:s17], $0x2800  }
0x143: {  	[sflag:s17] =	ssyncset.done $0x0  }
0x144: {  	[sflag:s17] =	ssyncadd.s32 $0xFFFFD800  }
0x145: {  	[spmem:s2] =	stream.indirect.scatter.add.f32 [tilespmem:s14], [sflag:$0x5], $0x80, s3, s13, $0xb8;
	[tilespmem:$0x1F080] =	vst v63  }
0x146: {  	s10 =	rddreg [dreg:$0x8]  }
0x147: {  	[tilespmem:s18], [sflag:$0x4] =	stream.indirect.gather [hbm4b:s4+s13], $0x80, s10, s13, $0xb8;
	[tilespmem:$0x1F080] =	vst v63  }
0x148: {  	_ =	swait.ge [sflag:s19], $0x2800  }
0x149: {  	[sflag:s19] =	ssyncset.done $0x0  }
0x14a: {  	[sflag:s19] =	ssyncadd.s32 $0xFFFFD800  }
0x14b: {  	[spmem:s2] =	stream.indirect.scatter.add.f32 [tilespmem:s15], [sflag:$0x6], $0x80, s13, s13, $0xb8;
	[tilespmem:$0x1F080] =	vst v63  }
0x14c: {  	_ =	swait.ge [sflag:s20], $0x2800  }
0x14d: {  	[sflag:s20] =	ssyncset.done $0x0  }
0x14e: {  	s10 =	rddreg [dreg:$0x9];
	[sflag:s20] =	ssyncadd.s32 $0xFFFFD800  }
0x14f: {  	[tilespmem:s14], [sflag:$0x1] =	stream.indirect.gather [hbm4b:s4+s13], $0x80, s10, s13, $0xb8;
	[tilespmem:$0x1F080] =	vst v63  }
0x150: {  	_ =	swait.ge [sflag:s21], $0x2800  }
0x151: {  	[sflag:s21] =	ssyncset.done $0x0  }
0x152: {  	s10 =	rddreg [dreg:$0xa];
	[sflag:s21] =	ssyncadd.s32 $0xFFFFD800  }
0x153: {  	[spmem:s2] =	stream.indirect.scatter.add.f32 [tilespmem:s16], [sflag:$0x7], $0x80, s10, s13, $0xb8;
	[tilespmem:$0x1F080] =	vst v63  }
0x154: {  	_ =	swait.ge [sflag:s22], $0x2800  }
0x155: {  	[sflag:s22] =	ssyncset.done $0x0  }
0x156: {  	s10 =	rddreg [dreg:$0xb];
	[sflag:s22] =	ssyncadd.s32 $0xFFFFD800  }
0x157: {  	[tilespmem:s15], [sflag:$0x2] =	stream.indirect.gather [hbm4b:s4+s13], $0x80, s10, s13, $0xb8;
	[tilespmem:$0x1F080] =	vst v63  }
0x158: {  	_ =	swait.ge [sflag:s23], $0x2800  }
0x159: {  	[sflag:s23] =	ssyncset.done $0x0  }
0x15a: {  	s10 =	rddreg [dreg:$0xc];
	[sflag:s23] =	ssyncadd.s32 $0xFFFFD800  }
0x15b: {  	[spmem:s2] =	stream.indirect.scatter.add.f32 [tilespmem:s18], [sflag:$0x8], $0x80, s10, s13, $0xb8;
	[tilespmem:$0x1F080] =	vst v63  }
0x15c: {  	_ =	swait.ge [sflag:s24], $0x2800  }
0x15d: {  	[sflag:s24] =	ssyncset.done $0x0  }
0x15e: {  	s10 =	rddreg [dreg:$0xd];
	[sflag:s24] =	ssyncadd.s32 $0xFFFFD800  }
0x15f: {  	[tilespmem:s16], [sflag:$0x3] =	stream.indirect.gather [hbm4b:s4+s13], $0x80, s10, s13, $0xb8;
	[tilespmem:$0x1F080] =	vst v63  }
0x160: {  	_ =	swait.ge [sflag:s17], $0x2800  }
0x161: {  	[sflag:s17] =	ssyncset.done $0x0  }
0x162: {  	s10 =	rddreg [dreg:$0xe];
	[sflag:s17] =	ssyncadd.s32 $0xFFFFD800  }
0x163: {  	[spmem:s2] =	stream.indirect.scatter.add.f32 [tilespmem:s14], [sflag:$0x5], $0x80, s10, s13, $0xb8;
	[tilespmem:$0x1F080] =	vst v63  }
0x164: {  	_ =	swait.ge [sflag:s25], $0x2800  }
0x165: {  	[sflag:s25] =	ssyncset.done $0x0  }
0x166: {  	s10 =	rddreg [dreg:$0xf];
	[sflag:s25] =	ssyncadd.s32 $0xFFFFD800  }
0x167: {  	[tilespmem:s18], [sflag:$0x4] =	stream.indirect.gather [hbm4b:s4+s13], $0x80, s10, s13, $0xb8;
	[tilespmem:$0x1F080] =	vst v63  }
0x168: {  	_ =	swait.ge [sflag:s19], $0x2800  }
0x169: {  	[sflag:s19] =	ssyncset.done $0x0  }
0x16a: {  	s10 =	rddreg [dreg:$0x10];
	[sflag:s19] =	ssyncadd.s32 $0xFFFFD800  }
0x16b: {  	[spmem:s2] =	stream.indirect.scatter.add.f32 [tilespmem:s15], [sflag:$0x6], $0x80, s10, s13, $0xb8;
	[tilespmem:$0x1F080] =	vst v63  }
0x16c: {  	_ =	swait.ge [sflag:s20], $0x2800  }
0x16d: {  	[sflag:s20] =	ssyncset.done $0x0  }
0x16e: {  	s10 =	rddreg [dreg:$0x11];
	[sflag:s20] =	ssyncadd.s32 $0xFFFFD800  }
0x16f: {  	[tilespmem:s14], [sflag:$0x1] =	stream.indirect.gather [hbm4b:s4+s13], $0x80, s10, s13, $0xb8;
	[tilespmem:$0x1F080] =	vst v63  }
0x170: {  	_ =	swait.ge [sflag:s21], $0x2800  }
0x171: {  	[sflag:s21] =	ssyncset.done $0x0  }
0x172: {  	s10 =	rddreg [dreg:$0x12];
	[sflag:s21] =	ssyncadd.s32 $0xFFFFD800  }
0x173: {  	[spmem:s2] =	stream.indirect.scatter.add.f32 [tilespmem:s16], [sflag:$0x7], $0x80, s10, s13, $0xb8;
	[tilespmem:$0x1F080] =	vst v63  }
0x174: {  	_ =	swait.ge [sflag:s22], $0x2800  }
0x175: {  	[sflag:s22] =	ssyncset.done $0x0  }
0x176: {  	s10 =	rddreg [dreg:$0x13];
	[sflag:s22] =	ssyncadd.s32 $0xFFFFD800  }
0x177: {  	[tilespmem:s15], [sflag:$0x2] =	stream.indirect.gather [hbm4b:s4+s13], $0x80, s10, s13, $0xb8;
	[tilespmem:$0x1F080] =	vst v63  }
0x178: {  	_ =	swait.ge [sflag:s23], $0x2800  }
0x179: {  	[sflag:s23] =	ssyncset.done $0x0  }
0x17a: {  	s10 =	rddreg [dreg:$0x14];
	[sflag:s23] =	ssyncadd.s32 $0xFFFFD800  }
0x17b: {  	[spmem:s2] =	stream.indirect.scatter.add.f32 [tilespmem:s18], [sflag:$0x8], $0x80, s10, s13, $0xb8;
	[tilespmem:$0x1F080] =	vst v63  }
0x17c: {  	_ =	swait.ge [sflag:s24], $0x2800  }
0x17d: {  	[sflag:s24] =	ssyncset.done $0x0  }
0x17e: {  	s10 =	rddreg [dreg:$0x15];
	[sflag:s24] =	ssyncadd.s32 $0xFFFFD800  }
0x17f: {  	[tilespmem:s16], [sflag:$0x3] =	stream.indirect.gather [hbm4b:s4+s13], $0x80, s10, s13, $0xb8;
	[tilespmem:$0x1F080] =	vst v63  }
0x180: {  	_ =	swait.ge [sflag:s17], $0x2800  }
0x181: {  	[sflag:s17] =	ssyncset.done $0x0  }
0x182: {  	s10 =	rddreg [dreg:$0x16];
	[sflag:s17] =	ssyncadd.s32 $0xFFFFD800  }
0x183: {  	[spmem:s2] =	stream.indirect.scatter.add.f32 [tilespmem:s14], [sflag:$0x5], $0x80, s10, s13, $0xb8;
	[tilespmem:$0x1F080] =	vst v63  }
0x184: {  	_ =	swait.ge [sflag:s25], $0x2800  }
0x185: {  	[sflag:s25] =	ssyncset.done $0x0  }
0x186: {  	s10 =	rddreg [dreg:$0x17];
	[sflag:s25] =	ssyncadd.s32 $0xFFFFD800  }
0x187: {  	[tilespmem:s18], [sflag:$0x4] =	stream.indirect.gather [hbm4b:s4+s13], $0x80, s10, s13, $0xb8;
	[tilespmem:$0x1F080] =	vst v63  }
0x188: {  	_ =	swait.ge [sflag:s19], $0x2800  }
0x189: {  	[sflag:s19] =	ssyncset.done $0x0  }
0x18a: {  	s10 =	rddreg [dreg:$0x18];
	[sflag:s19] =	ssyncadd.s32 $0xFFFFD800  }
0x18b: {  	[spmem:s2] =	stream.indirect.scatter.add.f32 [tilespmem:s15], [sflag:$0x6], $0x80, s10, s13, $0xb8;
	[tilespmem:$0x1F080] =	vst v63  }
0x18c: {  	_ =	swait.ge [sflag:s20], $0x2800  }
0x18d: {  	[sflag:s20] =	ssyncset.done $0x0  }
0x18e: {  	s10 =	rddreg [dreg:$0x19];
	[sflag:s20] =	ssyncadd.s32 $0xFFFFD800  }
0x18f: {  	[tilespmem:s14], [sflag:$0x1] =	stream.indirect.gather [hbm4b:s4+s13], $0x80, s10, s13, $0xb8;
	[tilespmem:$0x1F080] =	vst v63  }
0x190: {  	_ =	swait.ge [sflag:s21], $0x2800  }
0x191: {  	[sflag:s21] =	ssyncset.done $0x0  }
0x192: {  	s10 =	rddreg [dreg:$0x1a];
	[sflag:s21] =	ssyncadd.s32 $0xFFFFD800  }
0x193: {  	[spmem:s2] =	stream.indirect.scatter.add.f32 [tilespmem:s16], [sflag:$0x7], $0x80, s10, s13, $0xb8;
	[tilespmem:$0x1F080] =	vst v63  }
0x194: {  	_ =	swait.ge [sflag:s22], $0x2800  }
0x195: {  	[sflag:s22] =	ssyncset.done $0x0  }
0x196: {  	s10 =	rddreg [dreg:$0x1b];
	[sflag:s22] =	ssyncadd.s32 $0xFFFFD800  }
0x197: {  	[tilespmem:s15], [sflag:$0x2] =	stream.indirect.gather [hbm4b:s4+s13], $0x80, s10, s13, $0xb8;
	[tilespmem:$0x1F080] =	vst v63  }
0x198: {  	_ =	swait.ge [sflag:s23], $0x2800  }
0x199: {  	[sflag:s23] =	ssyncset.done $0x0  }
0x19a: {  	s10 =	rddreg [dreg:$0x1c];
	[sflag:s23] =	ssyncadd.s32 $0xFFFFD800  }
0x19b: {  	[spmem:s2] =	stream.indirect.scatter.add.f32 [tilespmem:s18], [sflag:$0x8], $0x80, s10, s13, $0xb8;
	[tilespmem:$0x1F080] =	vst v63  }
0x19c: {  	_ =	swait.ge [sflag:s24], $0x2800  }
0x19d: {  	[sflag:s24] =	ssyncset.done $0x0  }
0x19e: {  	s10 =	rddreg [dreg:$0x1d];
	[sflag:s24] =	ssyncadd.s32 $0xFFFFD800  }
0x19f: {  	[tilespmem:s16], [sflag:$0x3] =	stream.indirect.gather [hbm4b:s4+s13], $0x80, s10, s13, $0xb8;
	[tilespmem:$0x1F080] =	vst v63  }
0x1a0: {  	_ =	swait.ge [sflag:s17], $0x2800  }
0x1a1: {  	[sflag:s17] =	ssyncset.done $0x0  }
0x1a2: {  	s10 =	rddreg [dreg:$0x1e];
	[sflag:s17] =	ssyncadd.s32 $0xFFFFD800  }
0x1a3: {  	[spmem:s2] =	stream.indirect.scatter.add.f32 [tilespmem:s14], [sflag:$0x5], $0x80, s10, s13, $0xb8;
	[tilespmem:$0x1F080] =	vst v63  }
0x1a4: {  	_ =	swait.ge [sflag:s25], $0x2800  }
0x1a5: {  	[sflag:s25] =	ssyncset.done $0x0  }
0x1a6: {  	s10 =	rddreg [dreg:$0x1f];
	[sflag:s25] =	ssyncadd.s32 $0xFFFFD800  }
0x1a7: {  	[tilespmem:s18], [sflag:$0x4] =	stream.indirect.gather [hbm4b:s4+s13], $0x80, s10, s13, $0xb8;
	[tilespmem:$0x1F080] =	vst v63  }
0x1a8: {  	_ =	swait.ge [sflag:s19], $0x2800  }
0x1a9: {  	s10 =	sld [smem:$0x7F0]  }
0x1aa: {  	[sflag:s19] =	ssyncset.done $0x0  }
0x1ab: {  	[sflag:s19] =	ssyncadd.s32 $0xFFFFD800  }
0x1ac: {  	[spmem:s2] =	stream.indirect.scatter.add.f32 [tilespmem:s15], [sflag:$0x6], $0x80, s10, s13, $0xb8;
	[tilespmem:$0x1F080] =	vst v63  }
0x1ad: {  	_ =	swait.ge [sflag:s20], $0x2800  }
0x1ae: {  	s10 =	sld [smem:$0x7F1]  }
0x1af: {  	[sflag:s20] =	ssyncset.done $0x0  }
0x1b0: {  	[sflag:s20] =	ssyncadd.s32 $0xFFFFD800  }
0x1b1: {  	[tilespmem:s14], [sflag:$0x1] =	stream.indirect.gather [hbm4b:s4+s13], $0x80, s10, s13, $0xb8;
	[tilespmem:$0x1F080] =	vst v63  }
0x1b2: {  	_ =	swait.ge [sflag:s21], $0x2800  }
0x1b3: {  	s10 =	sld [smem:$0x7F2]  }
0x1b4: {  	[sflag:s21] =	ssyncset.done $0x0  }
0x1b5: {  	[sflag:s21] =	ssyncadd.s32 $0xFFFFD800  }
0x1b6: {  	[spmem:s2] =	stream.indirect.scatter.add.f32 [tilespmem:s16], [sflag:$0x7], $0x80, s10, s13, $0xb8;
	[tilespmem:$0x1F080] =	vst v63  }
0x1b7: {  	_ =	swait.ge [sflag:s22], $0x2800  }
0x1b8: {  	s10 =	sld [smem:$0x7F3]  }
0x1b9: {  	[sflag:s22] =	ssyncset.done $0x0  }
0x1ba: {  	[sflag:s22] =	ssyncadd.s32 $0xFFFFD800  }
0x1bb: {  	[tilespmem:s15], [sflag:$0x2] =	stream.indirect.gather [hbm4b:s4+s13], $0x80, s10, s13, $0xb8;
	[tilespmem:$0x1F080] =	vst v63  }
0x1bc: {  	_ =	swait.ge [sflag:s23], $0x2800  }
0x1bd: {  	s10 =	sld [smem:$0x7F4]  }
0x1be: {  	[sflag:s23] =	ssyncset.done $0x0  }
0x1bf: {  	[sflag:s23] =	ssyncadd.s32 $0xFFFFD800  }
0x1c0: {  	[spmem:s2] =	stream.indirect.scatter.add.f32 [tilespmem:s18], [sflag:$0x8], $0x80, s10, s13, $0xb8;
	[tilespmem:$0x1F080] =	vst v63  }
0x1c1: {  	_ =	swait.ge [sflag:s24], $0x2800  }
0x1c2: {  	s10 =	sld [smem:$0x7F5]  }
0x1c3: {  	[sflag:s24] =	ssyncset.done $0x0  }
0x1c4: {  	[sflag:s24] =	ssyncadd.s32 $0xFFFFD800  }
0x1c5: {  	[tilespmem:s16], [sflag:$0x3] =	stream.indirect.gather [hbm4b:s4+s13], $0x80, s10, s13, $0xb8;
	[tilespmem:$0x1F080] =	vst v63  }
0x1c6: {  	_ =	swait.ge [sflag:s17], $0x2800  }
0x1c7: {  	s10 =	sld [smem:$0x7F6]  }
0x1c8: {  	[sflag:s17] =	ssyncset.done $0x0  }
0x1c9: {  	[sflag:s17] =	ssyncadd.s32 $0xFFFFD800  }
0x1ca: {  	[spmem:s2] =	stream.indirect.scatter.add.f32 [tilespmem:s14], [sflag:$0x5], $0x80, s10, s13, $0xb8;
	[tilespmem:$0x1F080] =	vst v63  }
0x1cb: {  	_ =	swait.ge [sflag:s25], $0x2800  }
0x1cc: {  	s10 =	sld [smem:$0x7F7]  }
0x1cd: {  	[sflag:s25] =	ssyncset.done $0x0  }
0x1ce: {  	[sflag:s25] =	ssyncadd.s32 $0xFFFFD800  }
0x1cf: {  	[tilespmem:s18], [sflag:$0x4] =	stream.indirect.gather [hbm4b:s4+s13], $0x80, s10, s13, $0xb8;
	[tilespmem:$0x1F080] =	vst v63  }
0x1d0: {  	_ =	swait.ge [sflag:s19], $0x2800  }
0x1d1: {  	s10 =	sld [smem:$0x7F8]  }
0x1d2: {  	[sflag:s19] =	ssyncset.done $0x0  }
0x1d3: {  	[sflag:s19] =	ssyncadd.s32 $0xFFFFD800  }
0x1d4: {  	[spmem:s2] =	stream.indirect.scatter.add.f32 [tilespmem:s15], [sflag:$0x6], $0x80, s10, s13, $0xb8;
	[tilespmem:$0x1F080] =	vst v63  }
0x1d5: {  	_ =	swait.ge [sflag:s20], $0x2800  }
0x1d6: {  	s10 =	sld [smem:$0x7F9]  }
0x1d7: {  	[sflag:s20] =	ssyncset.done $0x0  }
0x1d8: {  	[sflag:s20] =	ssyncadd.s32 $0xFFFFD800  }
0x1d9: {  	[tilespmem:s14], [sflag:$0x1] =	stream.indirect.gather [hbm4b:s4+s13], $0x80, s10, s13, $0xb8;
	[tilespmem:$0x1F080] =	vst v63  }
0x1da: {  	_ =	swait.ge [sflag:s21], $0x2800  }
0x1db: {  	s10 =	sld [smem:$0x7FA]  }
0x1dc: {  	[sflag:s21] =	ssyncset.done $0x0  }
0x1dd: {  	[sflag:s21] =	ssyncadd.s32 $0xFFFFD800  }
0x1de: {  	[spmem:s2] =	stream.indirect.scatter.add.f32 [tilespmem:s16], [sflag:$0x7], $0x80, s10, s13, $0xb8;
	[tilespmem:$0x1F080] =	vst v63  }
0x1df: {  	_ =	swait.ge [sflag:s22], $0x2800  }
0x1e0: {  	s10 =	sld [smem:$0x7FB]  }
0x1e1: {  	[sflag:s22] =	ssyncset.done $0x0  }
0x1e2: {  	[sflag:s22] =	ssyncadd.s32 $0xFFFFD800  }
0x1e3: {  	[tilespmem:s15], [sflag:$0x2] =	stream.indirect.gather [hbm4b:s4+s13], $0x80, s10, s13, $0xb8;
	[tilespmem:$0x1F080] =	vst v63  }
0x1e4: {  	_ =	swait.ge [sflag:s23], $0x2800  }
0x1e5: {  	[sflag:s23] =	ssyncset.done $0x0  }
0x1e6: {  	s26 =	simm.s32 $0x5F0;
	[sflag:s23] =	ssyncadd.s32 $0xFFFFD800  }
0x1e7: {  	[spmem:s2] =	stream.indirect.scatter.add.f32 [tilespmem:s18], [sflag:$0x8], $0x80, s26, s13, $0xb8;
	[tilespmem:$0x1F080] =	vst v63  }
0x1e8: {  	_ =	swait.ge [sflag:s24], $0x2800  }
0x1e9: {  	[sflag:s24] =	ssyncset.done $0x0  }
0x1ea: {  	[sflag:s24] =	ssyncadd.s32 $0xFFFFD800  }
0x1eb: {  	[tilespmem:s16], [sflag:$0x3] =	stream.indirect.gather [hbm4b:s4+s13], $0x80, s28, s13, $0xb8;
	[tilespmem:$0x1F080] =	vst v63  }
0x1ec: {  	_ =	swait.ge [sflag:s17], $0x2800  }
0x1ed: {  	[sflag:s17] =	ssyncset.done $0x0  }
0x1ee: {  	[sflag:s17] =	ssyncadd.s32 $0xFFFFD800  }
0x1ef: {  	[spmem:s2] =	stream.indirect.scatter.add.f32 [tilespmem:s14], [sflag:$0x5], $0x80, s29, s13, $0xb8;
	[tilespmem:$0x1F080] =	vst v63  }
0x1f0: {  	_ =	swait.ge [sflag:s25], $0x2800  }
0x1f1: {  	[sflag:s25] =	ssyncset.done $0x0  }
0x1f2: {  	[sflag:s25] =	ssyncadd.s32 $0xFFFFD800  }
0x1f3: {  	[tilespmem:s18], [sflag:$0x4] =	stream.indirect.gather [hbm4b:s4+s13], $0x80, s30, s13, $0xb8;
	[tilespmem:$0x1F080] =	vst v63  }
0x1f4: {  	_ =	swait.ge [sflag:s19], $0x2800  }
0x1f5: {  	[sflag:s19] =	ssyncset.done $0x0  }
0x1f6: {  	[sflag:s19] =	ssyncadd.s32 $0xFFFFD800  }
0x1f7: {  	[spmem:s2] =	stream.indirect.scatter.add.f32 [tilespmem:s15], [sflag:$0x6], $0x80, s31, s13, $0xb8;
	[tilespmem:$0x1F080] =	vst v63  }
0x1f8: {  	_ =	swait.ge [sflag:s20], $0x2800  }
0x1f9: {  	[sflag:s20] =	ssyncset.done $0x0  }
0x1fa: {  	[sflag:s20] =	ssyncadd.s32 $0xFFFFD800  }
0x1fb: {  	[tilespmem:s14], [sflag:$0x1] =	stream.indirect.gather [hbm4b:s4+s13], $0x80, s1, s13, $0xb8;
	[tilespmem:$0x1F080] =	vst v63  }
0x1fc: {  	_ =	swait.ge [sflag:s21], $0x2800  }
0x1fd: {  	[sflag:s21] =	ssyncset.done $0x0  }
0x1fe: {  	[sflag:s21] =	ssyncadd.s32 $0xFFFFD800  }
0x1ff: {  	[spmem:s2] =	stream.indirect.scatter.add.f32 [tilespmem:s16], [sflag:$0x7], $0x80, s0, s13, $0xb8;
	[tilespmem:$0x1F080] =	vst v63  }
0x200: {  	_ =	swait.ge [sflag:s22], $0x2800  }
0x201: {  	[sflag:s22] =	ssyncset.done $0x0  }
0x202: {  	[sflag:s22] =	ssyncadd.s32 $0xFFFFD800  }
0x203: {  	_ =	swait.ge [sflag:s23], $0x2800  }
0x204: {  	[sflag:s23] =	ssyncset.done $0x0  }
0x205: {  	[sflag:s23] =	ssyncadd.s32 $0xFFFFD800  }
0x206: {  	[spmem:s2] =	stream.indirect.scatter.add.f32 [tilespmem:s18], [sflag:$0x8], $0x80, s7, s13, $0xb8;
	[tilespmem:$0x1F080] =	vst v63  }
0x207: {  	_ =	swait.ge [sflag:s24], $0x2800  }
0x208: {  	[sflag:s24] =	ssyncset.done $0x0  }
0x209: {  	[sflag:s24] =	ssyncadd.s32 $0xFFFFD800  }
0x20a: {  	_ =	swait.ge [sflag:s17], $0x2800  }
0x20b: {  	[sflag:s17] =	ssyncset.done $0x0  }
0x20c: {  	p1 =	sne.s32 s9, $0x3E8;
	[sflag:s17] =	ssyncadd.s32 $0xFFFFD800  }
0x20d: {  	[spmem:s2] =	stream.indirect.scatter.add.f32 [tilespmem:s14], [sflag:$0x5], $0x80, s8, s13, $0xb8;
	[tilespmem:$0x1F080] =	vst v63  }
.Ltmp2:
0x20e: {  	_ =	swait.ge [sflag:s25], $0x2800;
	(pc) =	sbr.rel @p1 .LBB2_6-.Ltmp2, $4  }
0x20f: {  	[sflag:s25] =	ssyncset.done $0x0  }
0x210: {  	[sflag:s25] =	ssyncadd.s32 $0xFFFFD800  }
0x211: {  	_ =	swait.ge [sflag:s20], $0x2800  }
0x212: {  	s9 =	sadd.s32 $0xFA, s9;
	s10 =	rddreg [dreg:$0x5];
	[sflag:s20] =	ssyncset.done $0x0  }
0x213: {  	[sflag:s20] =	ssyncadd.s32 $0xFFFFD800;
	s9 =	sadd.s32 s6, s10  }
0x214: {  	[tilespmem:s12], [sflag:$0x9] =	stream.linear.gather [hbm4b:s9+s3], $0x7D0, $0x38;
	[tilespmem:$0x1F080] =	vst v63  }
0x215: {  	_ =	swait.ge [sflag:s11], $0x7D0  }
0x216: {  	s10 =	rddreg [dreg:$0x4];
	[sflag:s11] =	ssyncset.done $0x0  }
0x217: {  	[sflag:s11] =	ssyncadd.s32 $0xFFFFF830;
	s10 =	sadd.s32 s6, s10  }
0x218: {  	[tilespmem:s3], [sflag:$0x9] =	stream.linear.gather [hbm4b:s10+s3], $0x7D0, $0x38;
	[tilespmem:$0x1F080] =	vst v63  }
0x219: {  	_ =	swait.ge [sflag:s11], $0x7D0  }
0x21a: {  	[sflag:s11] =	ssyncset.done $0x0  }
0x21b: {  	[sflag:s11] =	ssyncadd.s32 $0xFFFFF830  }
0x21c: {  	[tilespmem:s14], [sflag:$0x1] =	stream.indirect.gather [hbm4b:s4+s13], $0x80, s12, s13, $0xb8;
	[tilespmem:$0x1F080] =	vst v63  }
0x21d: {  	s9 =	rddreg [dreg:$0x6]  }
0x21e: {  	[tilespmem:s15], [sflag:$0x2] =	stream.indirect.gather [hbm4b:s4+s13], $0x80, s9, s13, $0xb8;
	[tilespmem:$0x1F080] =	vst v63  }
0x21f: {  	s10 =	rddreg [dreg:$0x7]  }
0x220: {  	[tilespmem:s16], [sflag:$0x3] =	stream.indirect.gather [hbm4b:s4+s13], $0x80, s10, s13, $0xb8;
	[tilespmem:$0x1F080] =	vst v63  }
0x221: {  	_ =	swait.ge [sflag:s17], $0x2800  }
0x222: {  	[sflag:s17] =	ssyncset.done $0x0  }
0x223: {  	[sflag:s17] =	ssyncadd.s32 $0xFFFFD800  }
0x224: {  	[spmem:s2] =	stream.indirect.scatter.add.f32 [tilespmem:s14], [sflag:$0x5], $0x80, s3, s13, $0xb8;
	[tilespmem:$0x1F080] =	vst v63  }
0x225: {  	s9 =	rddreg [dreg:$0x8]  }
0x226: {  	[tilespmem:s18], [sflag:$0x4] =	stream.indirect.gather [hbm4b:s4+s13], $0x80, s9, s13, $0xb8;
	[tilespmem:$0x1F080] =	vst v63  }
0x227: {  	_ =	swait.ge [sflag:s19], $0x2800  }
0x228: {  	[sflag:s19] =	ssyncset.done $0x0  }
0x229: {  	[sflag:s19] =	ssyncadd.s32 $0xFFFFD800  }
0x22a: {  	[spmem:s2] =	stream.indirect.scatter.add.f32 [tilespmem:s15], [sflag:$0x6], $0x80, s13, s13, $0xb8;
	[tilespmem:$0x1F080] =	vst v63  }
0x22b: {  	_ =	swait.ge [sflag:s20], $0x2800  }
0x22c: {  	[sflag:s20] =	ssyncset.done $0x0  }
0x22d: {  	s10 =	rddreg [dreg:$0x9];
	[sflag:s20] =	ssyncadd.s32 $0xFFFFD800  }
0x22e: {  	[tilespmem:s14], [sflag:$0x1] =	stream.indirect.gather [hbm4b:s4+s13], $0x80, s10, s13, $0xb8;
	[tilespmem:$0x1F080] =	vst v63  }
0x22f: {  	_ =	swait.ge [sflag:s21], $0x2800  }
0x230: {  	[sflag:s21] =	ssyncset.done $0x0  }
0x231: {  	s9 =	rddreg [dreg:$0xa];
	[sflag:s21] =	ssyncadd.s32 $0xFFFFD800  }
0x232: {  	[spmem:s2] =	stream.indirect.scatter.add.f32 [tilespmem:s16], [sflag:$0x7], $0x80, s9, s13, $0xb8;
	[tilespmem:$0x1F080] =	vst v63  }
0x233: {  	_ =	swait.ge [sflag:s22], $0x2800  }
0x234: {  	[sflag:s22] =	ssyncset.done $0x0  }
0x235: {  	s10 =	rddreg [dreg:$0xb];
	[sflag:s22] =	ssyncadd.s32 $0xFFFFD800  }
0x236: {  	[tilespmem:s15], [sflag:$0x2] =	stream.indirect.gather [hbm4b:s4+s13], $0x80, s10, s13, $0xb8;
	[tilespmem:$0x1F080] =	vst v63  }
0x237: {  	_ =	swait.ge [sflag:s23], $0x2800  }
0x238: {  	[sflag:s23] =	ssyncset.done $0x0  }
0x239: {  	s9 =	rddreg [dreg:$0xc];
	[sflag:s23] =	ssyncadd.s32 $0xFFFFD800  }
0x23a: {  	[spmem:s2] =	stream.indirect.scatter.add.f32 [tilespmem:s18], [sflag:$0x8], $0x80, s9, s13, $0xb8;
	[tilespmem:$0x1F080] =	vst v63  }
0x23b: {  	_ =	swait.ge [sflag:s24], $0x2800  }
0x23c: {  	[sflag:s24] =	ssyncset.done $0x0  }
0x23d: {  	s10 =	rddreg [dreg:$0xd];
	[sflag:s24] =	ssyncadd.s32 $0xFFFFD800  }
0x23e: {  	[tilespmem:s16], [sflag:$0x3] =	stream.indirect.gather [hbm4b:s4+s13], $0x80, s10, s13, $0xb8;
	[tilespmem:$0x1F080] =	vst v63  }
0x23f: {  	_ =	swait.ge [sflag:s17], $0x2800  }
0x240: {  	[sflag:s17] =	ssyncset.done $0x0  }
0x241: {  	s9 =	rddreg [dreg:$0xe];
	[sflag:s17] =	ssyncadd.s32 $0xFFFFD800  }
0x242: {  	[spmem:s2] =	stream.indirect.scatter.add.f32 [tilespmem:s14], [sflag:$0x5], $0x80, s9, s13, $0xb8;
	[tilespmem:$0x1F080] =	vst v63  }
0x243: {  	_ =	swait.ge [sflag:s25], $0x2800  }
0x244: {  	[sflag:s25] =	ssyncset.done $0x0  }
0x245: {  	s10 =	rddreg [dreg:$0xf];
	[sflag:s25] =	ssyncadd.s32 $0xFFFFD800  }
0x246: {  	[tilespmem:s18], [sflag:$0x4] =	stream.indirect.gather [hbm4b:s4+s13], $0x80, s10, s13, $0xb8;
	[tilespmem:$0x1F080] =	vst v63  }
0x247: {  	_ =	swait.ge [sflag:s19], $0x2800  }
0x248: {  	[sflag:s19] =	ssyncset.done $0x0  }
0x249: {  	s9 =	rddreg [dreg:$0x10];
	[sflag:s19] =	ssyncadd.s32 $0xFFFFD800  }
0x24a: {  	[spmem:s2] =	stream.indirect.scatter.add.f32 [tilespmem:s15], [sflag:$0x6], $0x80, s9, s13, $0xb8;
	[tilespmem:$0x1F080] =	vst v63  }
0x24b: {  	_ =	swait.ge [sflag:s20], $0x2800  }
0x24c: {  	[sflag:s20] =	ssyncset.done $0x0  }
0x24d: {  	s10 =	rddreg [dreg:$0x11];
	[sflag:s20] =	ssyncadd.s32 $0xFFFFD800  }
0x24e: {  	[tilespmem:s14], [sflag:$0x1] =	stream.indirect.gather [hbm4b:s4+s13], $0x80, s10, s13, $0xb8;
	[tilespmem:$0x1F080] =	vst v63  }
0x24f: {  	_ =	swait.ge [sflag:s21], $0x2800  }
0x250: {  	[sflag:s21] =	ssyncset.done $0x0  }
0x251: {  	s9 =	rddreg [dreg:$0x12];
	[sflag:s21] =	ssyncadd.s32 $0xFFFFD800  }
0x252: {  	[spmem:s2] =	stream.indirect.scatter.add.f32 [tilespmem:s16], [sflag:$0x7], $0x80, s9, s13, $0xb8;
	[tilespmem:$0x1F080] =	vst v63  }
0x253: {  	_ =	swait.ge [sflag:s22], $0x2800  }
0x254: {  	[sflag:s22] =	ssyncset.done $0x0  }
0x255: {  	s10 =	rddreg [dreg:$0x13];
	[sflag:s22] =	ssyncadd.s32 $0xFFFFD800  }
0x256: {  	[tilespmem:s15], [sflag:$0x2] =	stream.indirect.gather [hbm4b:s4+s13], $0x80, s10, s13, $0xb8;
	[tilespmem:$0x1F080] =	vst v63  }
0x257: {  	_ =	swait.ge [sflag:s23], $0x2800  }
0x258: {  	[sflag:s23] =	ssyncset.done $0x0  }
0x259: {  	s9 =	rddreg [dreg:$0x14];
	[sflag:s23] =	ssyncadd.s32 $0xFFFFD800  }
0x25a: {  	[spmem:s2] =	stream.indirect.scatter.add.f32 [tilespmem:s18], [sflag:$0x8], $0x80, s9, s13, $0xb8;
	[tilespmem:$0x1F080] =	vst v63  }
0x25b: {  	_ =	swait.ge [sflag:s24], $0x2800  }
0x25c: {  	[sflag:s24] =	ssyncset.done $0x0  }
0x25d: {  	s10 =	rddreg [dreg:$0x15];
	[sflag:s24] =	ssyncadd.s32 $0xFFFFD800  }
0x25e: {  	[tilespmem:s16], [sflag:$0x3] =	stream.indirect.gather [hbm4b:s4+s13], $0x80, s10, s13, $0xb8;
	[tilespmem:$0x1F080] =	vst v63  }
0x25f: {  	_ =	swait.ge [sflag:s17], $0x2800  }
0x260: {  	[sflag:s17] =	ssyncset.done $0x0  }
0x261: {  	s9 =	rddreg [dreg:$0x16];
	[sflag:s17] =	ssyncadd.s32 $0xFFFFD800  }
0x262: {  	[spmem:s2] =	stream.indirect.scatter.add.f32 [tilespmem:s14], [sflag:$0x5], $0x80, s9, s13, $0xb8;
	[tilespmem:$0x1F080] =	vst v63  }
0x263: {  	_ =	swait.ge [sflag:s25], $0x2800  }
0x264: {  	[sflag:s25] =	ssyncset.done $0x0  }
0x265: {  	s10 =	rddreg [dreg:$0x17];
	[sflag:s25] =	ssyncadd.s32 $0xFFFFD800  }
0x266: {  	[tilespmem:s18], [sflag:$0x4] =	stream.indirect.gather [hbm4b:s4+s13], $0x80, s10, s13, $0xb8;
	[tilespmem:$0x1F080] =	vst v63  }
0x267: {  	_ =	swait.ge [sflag:s19], $0x2800  }
0x268: {  	[sflag:s19] =	ssyncset.done $0x0  }
0x269: {  	s9 =	rddreg [dreg:$0x18];
	[sflag:s19] =	ssyncadd.s32 $0xFFFFD800  }
0x26a: {  	[spmem:s2] =	stream.indirect.scatter.add.f32 [tilespmem:s15], [sflag:$0x6], $0x80, s9, s13, $0xb8;
	[tilespmem:$0x1F080] =	vst v63  }
0x26b: {  	_ =	swait.ge [sflag:s20], $0x2800  }
0x26c: {  	[sflag:s20] =	ssyncset.done $0x0  }
0x26d: {  	s10 =	rddreg [dreg:$0x19];
	[sflag:s20] =	ssyncadd.s32 $0xFFFFD800  }
0x26e: {  	[tilespmem:s14], [sflag:$0x1] =	stream.indirect.gather [hbm4b:s4+s13], $0x80, s10, s13, $0xb8;
	[tilespmem:$0x1F080] =	vst v63  }
0x26f: {  	_ =	swait.ge [sflag:s21], $0x2800  }
0x270: {  	[sflag:s21] =	ssyncset.done $0x0  }
0x271: {  	s9 =	rddreg [dreg:$0x1a];
	[sflag:s21] =	ssyncadd.s32 $0xFFFFD800  }
0x272: {  	[spmem:s2] =	stream.indirect.scatter.add.f32 [tilespmem:s16], [sflag:$0x7], $0x80, s9, s13, $0xb8;
	[tilespmem:$0x1F080] =	vst v63  }
0x273: {  	_ =	swait.ge [sflag:s22], $0x2800  }
0x274: {  	[sflag:s22] =	ssyncset.done $0x0  }
0x275: {  	s10 =	rddreg [dreg:$0x1b];
	[sflag:s22] =	ssyncadd.s32 $0xFFFFD800  }
0x276: {  	[tilespmem:s15], [sflag:$0x2] =	stream.indirect.gather [hbm4b:s4+s13], $0x80, s10, s13, $0xb8;
	[tilespmem:$0x1F080] =	vst v63  }
0x277: {  	_ =	swait.ge [sflag:s23], $0x2800  }
0x278: {  	[sflag:s23] =	ssyncset.done $0x0  }
0x279: {  	s9 =	rddreg [dreg:$0x1c];
	[sflag:s23] =	ssyncadd.s32 $0xFFFFD800  }
0x27a: {  	[spmem:s2] =	stream.indirect.scatter.add.f32 [tilespmem:s18], [sflag:$0x8], $0x80, s9, s13, $0xb8;
	[tilespmem:$0x1F080] =	vst v63  }
0x27b: {  	_ =	swait.ge [sflag:s24], $0x2800  }
0x27c: {  	[sflag:s24] =	ssyncset.done $0x0  }
0x27d: {  	s10 =	rddreg [dreg:$0x1d];
	[sflag:s24] =	ssyncadd.s32 $0xFFFFD800  }
0x27e: {  	[tilespmem:s16], [sflag:$0x3] =	stream.indirect.gather [hbm4b:s4+s13], $0x80, s10, s13, $0xb8;
	[tilespmem:$0x1F080] =	vst v63  }
0x27f: {  	_ =	swait.ge [sflag:s17], $0x2800  }
0x280: {  	[sflag:s17] =	ssyncset.done $0x0  }
0x281: {  	s9 =	rddreg [dreg:$0x1e];
	[sflag:s17] =	ssyncadd.s32 $0xFFFFD800  }
0x282: {  	[spmem:s2] =	stream.indirect.scatter.add.f32 [tilespmem:s14], [sflag:$0x5], $0x80, s9, s13, $0xb8;
	[tilespmem:$0x1F080] =	vst v63  }
0x283: {  	_ =	swait.ge [sflag:s25], $0x2800  }
0x284: {  	[sflag:s25] =	ssyncset.done $0x0  }
0x285: {  	s10 =	rddreg [dreg:$0x1f];
	[sflag:s25] =	ssyncadd.s32 $0xFFFFD800  }
0x286: {  	[tilespmem:s18], [sflag:$0x4] =	stream.indirect.gather [hbm4b:s4+s13], $0x80, s10, s13, $0xb8;
	[tilespmem:$0x1F080] =	vst v63  }
0x287: {  	_ =	swait.ge [sflag:s19], $0x2800  }
0x288: {  	s9 =	sld [smem:$0x7F0]  }
0x289: {  	[sflag:s19] =	ssyncset.done $0x0  }
0x28a: {  	[sflag:s19] =	ssyncadd.s32 $0xFFFFD800  }
0x28b: {  	[spmem:s2] =	stream.indirect.scatter.add.f32 [tilespmem:s15], [sflag:$0x6], $0x80, s9, s13, $0xb8;
	[tilespmem:$0x1F080] =	vst v63  }
0x28c: {  	_ =	swait.ge [sflag:s20], $0x2800  }
0x28d: {  	s10 =	sld [smem:$0x7F1]  }
0x28e: {  	[sflag:s20] =	ssyncset.done $0x0  }
0x28f: {  	[sflag:s20] =	ssyncadd.s32 $0xFFFFD800  }
0x290: {  	[tilespmem:s14], [sflag:$0x1] =	stream.indirect.gather [hbm4b:s4+s13], $0x80, s10, s13, $0xb8;
	[tilespmem:$0x1F080] =	vst v63  }
0x291: {  	_ =	swait.ge [sflag:s21], $0x2800  }
0x292: {  	s9 =	sld [smem:$0x7F2]  }
0x293: {  	[sflag:s21] =	ssyncset.done $0x0  }
0x294: {  	[sflag:s21] =	ssyncadd.s32 $0xFFFFD800  }
0x295: {  	[spmem:s2] =	stream.indirect.scatter.add.f32 [tilespmem:s16], [sflag:$0x7], $0x80, s9, s13, $0xb8;
	[tilespmem:$0x1F080] =	vst v63  }
0x296: {  	_ =	swait.ge [sflag:s22], $0x2800  }
0x297: {  	s10 =	sld [smem:$0x7F3]  }
0x298: {  	[sflag:s22] =	ssyncset.done $0x0  }
0x299: {  	[sflag:s22] =	ssyncadd.s32 $0xFFFFD800  }
0x29a: {  	[tilespmem:s15], [sflag:$0x2] =	stream.indirect.gather [hbm4b:s4+s13], $0x80, s10, s13, $0xb8;
	[tilespmem:$0x1F080] =	vst v63  }
0x29b: {  	_ =	swait.ge [sflag:s23], $0x2800  }
0x29c: {  	s9 =	sld [smem:$0x7F4]  }
0x29d: {  	[sflag:s23] =	ssyncset.done $0x0  }
0x29e: {  	[sflag:s23] =	ssyncadd.s32 $0xFFFFD800  }
0x29f: {  	[spmem:s2] =	stream.indirect.scatter.add.f32 [tilespmem:s18], [sflag:$0x8], $0x80, s9, s13, $0xb8;
	[tilespmem:$0x1F080] =	vst v63  }
0x2a0: {  	_ =	swait.ge [sflag:s24], $0x2800  }
0x2a1: {  	s10 =	sld [smem:$0x7F5]  }
0x2a2: {  	[sflag:s24] =	ssyncset.done $0x0  }
0x2a3: {  	[sflag:s24] =	ssyncadd.s32 $0xFFFFD800  }
0x2a4: {  	[tilespmem:s16], [sflag:$0x3] =	stream.indirect.gather [hbm4b:s4+s13], $0x80, s10, s13, $0xb8;
	[tilespmem:$0x1F080] =	vst v63  }
0x2a5: {  	_ =	swait.ge [sflag:s17], $0x2800  }
0x2a6: {  	s9 =	sld [smem:$0x7F6]  }
0x2a7: {  	[sflag:s17] =	ssyncset.done $0x0  }
0x2a8: {  	[sflag:s17] =	ssyncadd.s32 $0xFFFFD800  }
0x2a9: {  	[spmem:s2] =	stream.indirect.scatter.add.f32 [tilespmem:s14], [sflag:$0x5], $0x80, s9, s13, $0xb8;
	[tilespmem:$0x1F080] =	vst v63  }
0x2aa: {  	_ =	swait.ge [sflag:s25], $0x2800  }
0x2ab: {  	s10 =	sld [smem:$0x7F7]  }
0x2ac: {  	[sflag:s25] =	ssyncset.done $0x0  }
0x2ad: {  	[sflag:s25] =	ssyncadd.s32 $0xFFFFD800  }
0x2ae: {  	[tilespmem:s18], [sflag:$0x4] =	stream.indirect.gather [hbm4b:s4+s13], $0x80, s10, s13, $0xb8;
	[tilespmem:$0x1F080] =	vst v63  }
0x2af: {  	_ =	swait.ge [sflag:s19], $0x2800  }
0x2b0: {  	s9 =	sld [smem:$0x7F8]  }
0x2b1: {  	[sflag:s19] =	ssyncset.done $0x0  }
0x2b2: {  	[sflag:s19] =	ssyncadd.s32 $0xFFFFD800  }
0x2b3: {  	[spmem:s2] =	stream.indirect.scatter.add.f32 [tilespmem:s15], [sflag:$0x6], $0x80, s9, s13, $0xb8;
	[tilespmem:$0x1F080] =	vst v63  }
0x2b4: {  	_ =	swait.ge [sflag:s20], $0x2800  }
0x2b5: {  	s10 =	sld [smem:$0x7F9]  }
0x2b6: {  	[sflag:s20] =	ssyncset.done $0x0  }
0x2b7: {  	[sflag:s20] =	ssyncadd.s32 $0xFFFFD800  }
0x2b8: {  	[tilespmem:s14], [sflag:$0x1] =	stream.indirect.gather [hbm4b:s4+s13], $0x80, s10, s13, $0xb8;
	[tilespmem:$0x1F080] =	vst v63  }
0x2b9: {  	_ =	swait.ge [sflag:s21], $0x2800  }
0x2ba: {  	s9 =	sld [smem:$0x7FA]  }
0x2bb: {  	[sflag:s21] =	ssyncset.done $0x0  }
0x2bc: {  	[sflag:s21] =	ssyncadd.s32 $0xFFFFD800  }
0x2bd: {  	[spmem:s2] =	stream.indirect.scatter.add.f32 [tilespmem:s16], [sflag:$0x7], $0x80, s9, s13, $0xb8;
	[tilespmem:$0x1F080] =	vst v63  }
0x2be: {  	_ =	swait.ge [sflag:s22], $0x2800  }
0x2bf: {  	s10 =	sld [smem:$0x7FB]  }
0x2c0: {  	[sflag:s22] =	ssyncset.done $0x0  }
0x2c1: {  	[sflag:s22] =	ssyncadd.s32 $0xFFFFD800  }
0x2c2: {  	[tilespmem:s15], [sflag:$0x2] =	stream.indirect.gather [hbm4b:s4+s13], $0x80, s10, s13, $0xb8;
	[tilespmem:$0x1F080] =	vst v63  }
0x2c3: {  	_ =	swait.ge [sflag:s23], $0x2800  }
0x2c4: {  	[sflag:s23] =	ssyncset.done $0x0  }
0x2c5: {  	[sflag:s23] =	ssyncadd.s32 $0xFFFFD800  }
0x2c6: {  	[spmem:s2] =	stream.indirect.scatter.add.f32 [tilespmem:s18], [sflag:$0x8], $0x80, s26, s13, $0xb8;
	[tilespmem:$0x1F080] =	vst v63  }
0x2c7: {  	_ =	swait.ge [sflag:s24], $0x2800  }
0x2c8: {  	[sflag:s24] =	ssyncset.done $0x0  }
0x2c9: {  	[sflag:s24] =	ssyncadd.s32 $0xFFFFD800  }
0x2ca: {  	[tilespmem:s16], [sflag:$0x3] =	stream.indirect.gather [hbm4b:s4+s13], $0x80, s28, s13, $0xb8;
	[tilespmem:$0x1F080] =	vst v63  }
0x2cb: {  	_ =	swait.ge [sflag:s17], $0x2800  }
0x2cc: {  	[sflag:s17] =	ssyncset.done $0x0  }
0x2cd: {  	[sflag:s17] =	ssyncadd.s32 $0xFFFFD800  }
0x2ce: {  	[spmem:s2] =	stream.indirect.scatter.add.f32 [tilespmem:s14], [sflag:$0x5], $0x80, s29, s13, $0xb8;
	[tilespmem:$0x1F080] =	vst v63  }
0x2cf: {  	_ =	swait.ge [sflag:s25], $0x2800  }
0x2d0: {  	[sflag:s25] =	ssyncset.done $0x0  }
0x2d1: {  	[sflag:s25] =	ssyncadd.s32 $0xFFFFD800  }
0x2d2: {  	[tilespmem:s18], [sflag:$0x4] =	stream.indirect.gather [hbm4b:s4+s13], $0x80, s30, s13, $0xb8;
	[tilespmem:$0x1F080] =	vst v63  }
0x2d3: {  	_ =	swait.ge [sflag:s19], $0x2800  }
0x2d4: {  	[sflag:s19] =	ssyncset.done $0x0  }
0x2d5: {  	[sflag:s19] =	ssyncadd.s32 $0xFFFFD800  }
0x2d6: {  	[spmem:s2] =	stream.indirect.scatter.add.f32 [tilespmem:s15], [sflag:$0x6], $0x80, s31, s13, $0xb8;
	[tilespmem:$0x1F080] =	vst v63  }
0x2d7: {  	_ =	swait.ge [sflag:s20], $0x2800  }
0x2d8: {  	[sflag:s20] =	ssyncset.done $0x0  }
0x2d9: {  	[sflag:s20] =	ssyncadd.s32 $0xFFFFD800  }
0x2da: {  	[tilespmem:s14], [sflag:$0x1] =	stream.indirect.gather [hbm4b:s4+s13], $0x80, s1, s13, $0xb8;
	[tilespmem:$0x1F080] =	vst v63  }
0x2db: {  	_ =	swait.ge [sflag:s21], $0x2800  }
0x2dc: {  	[sflag:s21] =	ssyncset.done $0x0  }
0x2dd: {  	[sflag:s21] =	ssyncadd.s32 $0xFFFFD800  }
0x2de: {  	[spmem:s2] =	stream.indirect.scatter.add.f32 [tilespmem:s16], [sflag:$0x7], $0x80, s0, s13, $0xb8;
	[tilespmem:$0x1F080] =	vst v63  }
0x2df: {  	_ =	swait.ge [sflag:s22], $0x2800  }
0x2e0: {  	[sflag:s22] =	ssyncset.done $0x0  }
0x2e1: {  	[sflag:s22] =	ssyncadd.s32 $0xFFFFD800  }
0x2e2: {  	_ =	swait.ge [sflag:s23], $0x2800  }
0x2e3: {  	[sflag:s23] =	ssyncset.done $0x0  }
0x2e4: {  	[sflag:s23] =	ssyncadd.s32 $0xFFFFD800  }
0x2e5: {  	[spmem:s2] =	stream.indirect.scatter.add.f32 [tilespmem:s18], [sflag:$0x8], $0x80, s7, s13, $0xb8;
	[tilespmem:$0x1F080] =	vst v63  }
0x2e6: {  	_ =	swait.ge [sflag:s24], $0x2800  }
0x2e7: {  	[sflag:s24] =	ssyncset.done $0x0  }
0x2e8: {  	[sflag:s24] =	ssyncadd.s32 $0xFFFFD800  }
0x2e9: {  	_ =	swait.ge [sflag:s17], $0x2800  }
0x2ea: {  	[sflag:s17] =	ssyncset.done $0x0  }
0x2eb: {  	[sflag:s17] =	ssyncadd.s32 $0xFFFFD800  }
0x2ec: {  	[spmem:s2] =	stream.indirect.scatter.add.f32 [tilespmem:s14], [sflag:$0x5], $0x80, s8, s13, $0xb8;
	[tilespmem:$0x1F080] =	vst v63  }
0x2ed: {  	_ =	swait.ge [sflag:s25], $0x2800  }
0x2ee: {  	[sflag:s25] =	ssyncset.done $0x0  }
0x2ef: {  	[sflag:s25] =	ssyncadd.s32 $0xFFFFD800  }
0x2f0: {  	_ =	swait.ge [sflag:s20], $0x2800  }
0x2f1: {  	[sflag:s20] =	ssyncset.done $0x0  }
0x2f2: {  	[sflag:s20] =	ssyncadd.s32 $0xFFFFD800  }
0x2f3: {  	[bflag:$0x0] =	sbarrier.arrive $0xFFFF  }
0x2f4: {  	s9 =	stileid.u32;
	s26 =	sld [smem:$0x7ED]  }
0x2f5: {  	s6 =	sshll.u32 s9, $0x6  }
0x2f6: {  	s6 =	sor.u32 $0x1C09, s6;
	s10 =	sshrl.u32 s5, $0x3  }
0x2f7: {  	[hbm:s26], [sflag:s6] =	dma.local [spmem:s10], $0x2700  }
0x2f8: {  	_ =	swait.ge [sflag:s11], $0x2700  }
0x2f9: {  	s10 =	sld [smem:$0x7FD]  }
0x2fa: {  	s26 =	sld [smem:$0x7EE]  }
0x2fb: {  	[sflag:s11] =	ssyncset.done $0x0  }
0x2fc: {  	[sflag:s11] =	ssyncadd.s32 $0xFFFFD900;
	s9 =	sshrl.u32 @!p0 s10, $0x3  }
0x2fd: {  	[hbm:s26], [sflag:s6] =	dma.local @!p0 [spmem:s9], $0x100  }
0x2fe: {  	s6 =	simm.s32 @!p0 $0x9  }
0x2ff: {  	_ =	swait.ge @!p0 [sflag:s6], $0x100  }
0x300: {  	s9 =	sld [smem:$0x7FC];
	_ =	sdelay $0x2  }
0x301: {  	s26 =	sadd.s32 $0x1, s9;
	s9 =	sld [smem:$0x7EF];
	_ =	sdelay $0x2  }
0x302: {  	p1 =	sne.s32 s26, s9  }
.Ltmp3:
0x303: {  	_ = 	snop;
	(pc) =	sbr.rel @p1 .LBB2_1-.Ltmp3, $3  }
0x304: {  	_ =	sdelay $0x1  }
0x305: {  	[sflag:s6] =	ssyncset.done @!p0 $0x0  }
0x306: {  	[sflag:s6] =	ssyncadd.s32 @!p0 $0xFFFFFF00;
	[smem:$0x7FC] =	sst s26;
	s26 =	simm.s32 $0x1E880  }
0x307: {  	_ =	sfence.sel $0x180000  }
0x308: {  	[bflag:$0x0] =	sbarrier.arrive $0xFFFF  }
0x309: {  	_ =	strace $0x90000047  }
0x30a: {  	s0 =	stileid.u32;
	[bflag:$0x2] =	sbarrier.arrive $0xFFFF  }
0x30b: {  	p0 =	sne.s32 s0, $0x0;
	s0 =	rddreg [dreg:$0x3]  }
0x30c: {  	s0 =	sadd.s32 @!p0 $0x100000, s0  }
0x30d: {  	[sflag:s0] =	ssyncadd.tile.s32 @!p0 $0x1;
	_ =	shalt  }
.Lfunc_end2:
_tile_overlayer_lowered:
.L_overlay_start_2:
0x30e: {  	(tag) =	ssettag $0x2  }
0x30f: {  	s0 =	rddreg [dreg:$0x0];
	s2 =	stileid.u32  }
0x310: {  	s1 =	rddreg [dreg:$0x1];
	p0 =	sne.s32 s2, $0x0  }
0x311: {  	s3 =	rddreg [dreg:$0x2];
	[bflag:$0x3] =	sbarrier.arrive $0xFFFF;
	s2 =	simm.s32 @!p0 $0x1C09  }
0x312: {  	[timem:s3], [sflag:s2] =	dma.local @!p0 [hbm:s0], s1  }
0x313: {  	s0 =	simm.s32 @!p0 $0x9  }
0x314: {  	_ =	swait.ge @!p0 [sflag:s0], s1  }
0x315: {  	s1 =	ssub.s32 @!p0 $0x0, s1;
	[sflag:s0] =	ssyncset.done @!p0 $0x0  }
0x316: {  	[sflag:s0] =	ssyncadd.s32 @!p0 s1  }
0x317: {  	[bflag:$0x3] =	sbarrier.arrive $0xFFFF  }
0x318: {  	_ =	shalt  }

</sc_bundles>
